<compile_context>
chip_gen: v7x
topology: tpu7x:2x2x1
jax: 0.10.2.dev20260603
libtpu: 0.0.44.dev20260713+nightly
codegen_flags: <defaults>
</compile_context>

<pallas_src>
import functools

import jax
import jax.numpy as jnp
from jax import lax
from jax.experimental import pallas as pl
from jax.experimental.pallas import tpu as pltpu
from jax.experimental.pallas import tpu_sc as plsc

N = 10000
E = 320000
DIN = 128
DIM = 128
DOUT = 16

NPAD = 10240
CHUNK = 128
NWORK = 32
CPT = 80
EPAD = NWORK * CPT * CHUNK
BN_INV = 0.9999950000374996


def _pad_edges(edge_index):
    npad = EPAD - E
    ar = jnp.arange(npad, dtype=jnp.int32)
    pad = jnp.stack([(ar * 37) % N, N + (ar % (NPAD - N))])
    return jnp.concatenate([edge_index, pad], axis=1).reshape(2, -1, CHUNK)


def _sc_degree(edge3):
    info = plsc.get_sparse_core_info()
    NC, NS = info.num_cores, info.num_subcores
    mesh = plsc.VectorSubcoreMesh(core_axis_name="c", subcore_axis_name="s")
    rows_per_tile = NPAD // NS

    @functools.partial(
        pl.kernel, mesh=mesh,
        out_type=jax.ShapeDtypeStruct((NC, NPAD), jnp.float32),
        scratch_types=[
            pltpu.VMEM((CPT, CHUNK), jnp.int32),
            pltpu.VMEM((CHUNK,), jnp.float32),
            pltpu.VMEM((rows_per_tile,), jnp.float32),
            pltpu.VMEM_SHARED((NPAD,), jnp.float32),
            pltpu.SemaphoreType.DMA,
        ],
    )
    def k(edge_hbm, out_hbm, col_v, ones_v, zero_v, acc, ssem):
        c = lax.axis_index("c")
        s = lax.axis_index("s")
        wid = c * NS + s
        for j in range(CHUNK // 16):
            ones_v[pl.ds(j * 16, 16)] = jnp.full((16,), 1.0, jnp.float32)

        def zbody(i, _):
            zero_v[pl.ds(i * 16, 16)] = jnp.zeros((16,), jnp.float32)
            return 0
        lax.fori_loop(0, rows_per_tile // 16, zbody, 0)
        pltpu.sync_copy(zero_v, acc.at[pl.ds(s * rows_per_tile, rows_per_tile)])
        pltpu.sync_copy(edge_hbm.at[1, pl.ds(wid * CPT, CPT), :], col_v)
        plsc.subcore_barrier()

        def body(i, _):
            pltpu.async_copy(ones_v, acc.at[col_v.at[i]], ssem, add=True)
            return 0
        lax.fori_loop(0, CPT, body, 0)

        def drain(i, _):
            pltpu.make_async_copy(ones_v, acc.at[col_v.at[0]], ssem).wait()
            return 0
        lax.fori_loop(0, CPT, drain, 0)
        plsc.subcore_barrier()
        pltpu.sync_copy(acc.at[pl.ds(s * rows_per_tile, rows_per_tile)],
                        out_hbm.at[c, pl.ds(s * rows_per_tile, rows_per_tile)])

    return k(edge3)


def _sc_aggregate(edge3, y):
    info = plsc.get_sparse_core_info()
    NC, NS = info.num_cores, info.num_subcores
    mesh = plsc.VectorSubcoreMesh(core_axis_name="c", subcore_axis_name="s")
    rows_per_tile = NPAD // NS

    IB = 40

    @functools.partial(
        pl.kernel, mesh=mesh,
        out_type=jax.ShapeDtypeStruct((NC, NPAD, DIM), jnp.float32),
        scratch_types=[
            pltpu.VMEM((IB, CHUNK), jnp.int32),
            pltpu.VMEM((IB, CHUNK), jnp.int32),
            pltpu.VMEM((CHUNK, DIM), jnp.float32),
            pltpu.VMEM((CHUNK, DIM), jnp.float32),
            pltpu.VMEM_SHARED((NPAD, DIM), jnp.float32),
            pltpu.SemaphoreType.DMA,
            pltpu.SemaphoreType.DMA,
        ],
    )
    def k(edge_hbm, y_hbm, out_hbm, row_v, col_v, buf0, buf1, acc, g0, g1):
        c = lax.axis_index("c")
        s = lax.axis_index("s")
        wid = c * NS + s

        def zbody(r, _):
            for j in range(DIM // 16):
                buf0[r, pl.ds(j * 16, 16)] = jnp.zeros((16,), jnp.float32)
            return 0
        lax.fori_loop(0, CHUNK, zbody, 0)
        for b in range(rows_per_tile // CHUNK):
            pltpu.sync_copy(
                buf0,
                acc.at[pl.ds(s * rows_per_tile + b * CHUNK, CHUNK), :])
        plsc.subcore_barrier()

        def slab(sb, _):
            base = wid * CPT + sb * IB
            pltpu.sync_copy(edge_hbm.at[0, pl.ds(base, IB), :], row_v)
            pltpu.sync_copy(edge_hbm.at[1, pl.ds(base, IB), :], col_v)
            pltpu.async_copy(y_hbm.at[row_v.at[0]], buf0, g0)
            pltpu.async_copy(y_hbm.at[row_v.at[1]], buf1, g1)

            def body(i, _):
                ka = 2 * i
                pltpu.make_async_copy(y_hbm.at[row_v.at[ka]], buf0, g0).wait()
                pltpu.sync_copy(buf0, acc.at[col_v.at[ka]], add=True)
                kn = jnp.minimum(ka + 2, IB - 1)
                pltpu.async_copy(y_hbm.at[row_v.at[kn]], buf0, g0)
                pltpu.make_async_copy(
                    y_hbm.at[row_v.at[ka + 1]], buf1, g1).wait()
                pltpu.sync_copy(buf1, acc.at[col_v.at[ka + 1]], add=True)
                km = jnp.minimum(ka + 3, IB - 1)
                pltpu.async_copy(y_hbm.at[row_v.at[km]], buf1, g1)
                return 0
            lax.fori_loop(0, IB // 2, body, 0)
            pltpu.make_async_copy(y_hbm.at[row_v.at[IB - 1]], buf0, g0).wait()
            pltpu.make_async_copy(y_hbm.at[row_v.at[IB - 1]], buf1, g1).wait()
            return 0
        lax.fori_loop(0, CPT // IB, slab, 0)
        plsc.subcore_barrier()
        pltpu.sync_copy(
            acc.at[pl.ds(s * rows_per_tile, rows_per_tile), :],
            out_hbm.at[c, pl.ds(s * rows_per_tile, rows_per_tile), :])

    return k(edge3, y)


_R = 2000


def _dinv(d_ref):
    return lax.rsqrt(d_ref[0] + d_ref[1] + 1.0)


def _dspec():
    return pl.BlockSpec((2, _R, 1), lambda i: (0, i, 0))


def _aspec():
    return pl.BlockSpec((2, _R, DIM), lambda i: (0, i, 0))


def _tc_first(x, W1, deg3):
    def body(x_ref, w_ref, d_ref, y_ref):
        dinv = _dinv(d_ref)
        xl = lax.dot_general(x_ref[...], w_ref[...], (((1,), (1,)), ((), ())),
                             preferred_element_type=jnp.float32)
        y_ref[...] = dinv * xl

    return pl.pallas_call(
        body,
        grid=(N // _R,),
        in_specs=[
            pl.BlockSpec((_R, DIN), lambda i: (i, 0)),
            pl.BlockSpec((DIM, DIN), lambda i: (0, 0)),
            _dspec(),
        ],
        out_specs=pl.BlockSpec((_R, DIM), lambda i: (i, 0)),
        out_shape=jax.ShapeDtypeStruct((N, DIM), jnp.float32),
    )(x, W1, deg3)


def _tc_mid(agg, y1, deg3, b1, g1, be1, W2):
    def body(a_ref, y_ref, d_ref, b_ref, g_ref, be_ref, w_ref, o_ref):
        dinv = _dinv(d_ref)
        pre = dinv * (a_ref[0] + a_ref[1] + y_ref[...]) + b_ref[...]
        h = jnp.maximum(pre, 0.0) * (g_ref[...] * BN_INV) + be_ref[...]
        hl = lax.dot_general(h, w_ref[...], (((1,), (1,)), ((), ())),
                             preferred_element_type=jnp.float32)
        o_ref[...] = dinv * hl

    return pl.pallas_call(
        body,
        grid=(N // _R,),
        in_specs=[
            _aspec(),
            pl.BlockSpec((_R, DIM), lambda i: (i, 0)),
            _dspec(),
            pl.BlockSpec((1, DIM), lambda i: (0, 0)),
            pl.BlockSpec((1, DIM), lambda i: (0, 0)),
            pl.BlockSpec((1, DIM), lambda i: (0, 0)),
            pl.BlockSpec((DIM, DIM), lambda i: (0, 0)),
        ],
        out_specs=pl.BlockSpec((_R, DIM), lambda i: (i, 0)),
        out_shape=jax.ShapeDtypeStruct((N, DIM), jnp.float32),
    )(agg, y1, deg3, b1, g1, be1, W2)


def _tc_final(agg, y2, deg3, b2, g2, be2, l1W, l1b, l2W, l2b):
    def body(a_ref, y_ref, d_ref, b_ref, g_ref, be_ref,
             w1_ref, w1b_ref, w2_ref, w2b_ref, o_ref):
        dinv = _dinv(d_ref)
        pre = dinv * (a_ref[0] + a_ref[1] + y_ref[...]) + b_ref[...]
        h = jnp.maximum(pre, 0.0) * (g_ref[...] * BN_INV) + be_ref[...]
        h = lax.dot_general(h, w1_ref[...], (((1,), (1,)), ((), ())),
                            preferred_element_type=jnp.float32) + w1b_ref[...]
        h = jnp.maximum(h, 0.0)
        lg = lax.dot_general(h, w2_ref[...], (((1,), (1,)), ((), ())),
                             preferred_element_type=jnp.float32) + w2b_ref[...]
        m = jnp.max(lg, axis=-1, keepdims=True)
        lse = jnp.log(jnp.sum(jnp.exp(lg - m), axis=-1, keepdims=True)) + m
        o_ref[...] = lg - lse

    return pl.pallas_call(
        body,
        grid=(N // _R,),
        in_specs=[
            _aspec(),
            pl.BlockSpec((_R, DIM), lambda i: (i, 0)),
            _dspec(),
            pl.BlockSpec((1, DIM), lambda i: (0, 0)),
            pl.BlockSpec((1, DIM), lambda i: (0, 0)),
            pl.BlockSpec((1, DIM), lambda i: (0, 0)),
            pl.BlockSpec((DIM, DIM), lambda i: (0, 0)),
            pl.BlockSpec((1, DIM), lambda i: (0, 0)),
            pl.BlockSpec((DOUT, DIM), lambda i: (0, 0)),
            pl.BlockSpec((1, DOUT), lambda i: (0, 0)),
        ],
        out_specs=pl.BlockSpec((_R, DOUT), lambda i: (i, 0)),
        out_shape=jax.ShapeDtypeStruct((N, DOUT), jnp.float32),
    )(agg, y2, deg3, b2, g2, be2, l1W, l1b, l2W, l2b)


def kernel(x, edge_index, batch, W1, b1, g1, be1, W2, b2, g2, be2,
           l1W, l1b, l2W, l2b):
    del batch
    edge3 = _pad_edges(edge_index.astype(jnp.int32))

    deg3 = _sc_degree(edge3).reshape(2, NPAD, 1)
    y1 = _tc_first(x, W1, deg3)
    agg1 = _sc_aggregate(edge3, y1)
    y2 = _tc_mid(agg1, y1, deg3,
                 b1.reshape(1, DIM), g1.reshape(1, DIM), be1.reshape(1, DIM),
                 W2)
    agg2 = _sc_aggregate(edge3, y2)
    return _tc_final(agg2, y2, deg3,
                     b2.reshape(1, DIM), g2.reshape(1, DIM),
                     be2.reshape(1, DIM),
                     l1W, l1b.reshape(1, DIM), l2W, l2b.reshape(1, DOUT))

# --- scband reference (transcript-rebuilt; emitter-appended) ---
"""Pipeline reference for scband-i2-bgnn-27977416966472 (READ-ONLY COPY).

The authoritative reference and input builder live on the scoring server;
editing this copy changes nothing except your own understanding.
"""

import jax, jax.numpy as jnp
import numpy as np

N = 10000
E = 320000
DIN = 128
DIM = 128
DOUT = 16


def setup_inputs(seed: int = 0) -> dict:
    key = jax.random.key(seed)
    ks = jax.random.split(key, 16)
    x = jax.random.normal(ks[0], (N, DIN), dtype=jnp.float32)
    edge_index = jax.random.randint(ks[1], (2, E), 0, N)
    batch = jnp.sort(jax.random.randint(ks[2], (N,), 0, 16))
    W1 = 0.05 * jax.random.normal(ks[3], (DIM, DIN), dtype=jnp.float32)
    b1 = jnp.zeros((DIM,), dtype=jnp.float32)
    g1 = jnp.ones((DIM,), dtype=jnp.float32)
    be1 = jnp.zeros((DIM,), dtype=jnp.float32)
    W2 = 0.05 * jax.random.normal(ks[4], (DIM, DIM), dtype=jnp.float32)
    b2 = jnp.zeros((DIM,), dtype=jnp.float32)
    g2 = jnp.ones((DIM,), dtype=jnp.float32)
    be2 = jnp.zeros((DIM,), dtype=jnp.float32)
    l1W = 0.05 * jax.random.normal(ks[5], (DIM, DIM), dtype=jnp.float32)
    l1b = jnp.zeros((DIM,), dtype=jnp.float32)
    l2W = 0.05 * jax.random.normal(ks[6], (DOUT, DIM), dtype=jnp.float32)
    l2b = jnp.zeros((DOUT,), dtype=jnp.float32)
    return {"x": x, "edge_index": edge_index, "batch": batch,
            "W1": W1, "b1": b1, "g1": g1, "be1": be1,
            "W2": W2, "b2": b2, "g2": g2, "be2": be2,
            "l1W": l1W, "l1b": l1b, "l2W": l2W, "l2b": l2b}


def _gcn_conv(x, edge_index, W, b):
    # PyG GCNConv: add self loops, symmetric normalization, edge_weight=None -> ones
    row = edge_index[0]
    col = edge_index[1]
    loop = jnp.arange(N, dtype=row.dtype)
    r = jnp.concatenate([row, loop])
    c = jnp.concatenate([col, loop])
    w = jnp.ones(r.shape[0], dtype=x.dtype)
    deg = jnp.zeros((N,), dtype=x.dtype).at[c].add(w)
    dinv = jnp.where(deg > 0, 1.0 / jnp.sqrt(deg), 0.0)
    norm = dinv[r] * w * dinv[c]
    xl = x @ W.T
    out = jnp.zeros((N, W.shape[0]), dtype=x.dtype).at[c].add(norm[:, None] * xl[r])
    return out + b


def _bn_eval(x, g, be):
    # BatchNorm1d in eval mode with freshly-initialized running stats (mean=0, var=1)
    return (x - 0.0) / jnp.sqrt(1.0 + 1e-5) * g + be


def reference(x, edge_index, batch, W1, b1, g1, be1, W2, b2, g2, be2, l1W, l1b, l2W, l2b):
    h = jax.nn.relu(_gcn_conv(x, edge_index, W1, b1))
    h = _bn_eval(h, g1, be1)
    h = jax.nn.relu(_gcn_conv(h, edge_index, W2, b2))
    h = _bn_eval(h, g2, be2)
    h = jax.nn.relu(h @ l1W.T + l1b)
    # dropout is identity in eval mode
    h = h @ l2W.T + l2b
    return jax.nn.log_softmax(h, axis=-1)

if __name__ == "__main__":
    import jax
    _d = setup_inputs()
    print(jax.jit(kernel)(*tuple(_d.values())))

</pallas_src>

<mosaic_0001>
#map = affine_map<(d0, d1) -> (0, 0, 0)>
#map1 = affine_map<(d0, d1) -> (0, 0)>
module attributes {stable_mosaic.version = 14 : i64} {
  func.func @k(%arg0: i32, %arg1: i32, %arg2: memref<2x2560x128xi32, #tpu.memory_space<hbm>>, %arg3: memref<2x10240xf32, #tpu.memory_space<hbm>>, %arg4: memref<80x128xi32, #tpu.memory_space<vmem>>, %arg5: memref<128xf32, #tpu.memory_space<vmem>>, %arg6: memref<640xf32, #tpu.memory_space<vmem>>, %arg7: memref<10240xf32, #tpu.memory_space<vmem_shared>>, %arg8: memref<!tpu.dma_semaphore, #tpu.memory_space<semaphore_mem>>) attributes {dimension_semantics = [#tpu.dimension_semantics<core_parallel>, #tpu.dimension_semantics<subcore_parallel>], iteration_bounds = array<i64: 2, 16>, scalar_prefetch = 0 : i64, scratch_operands = 5 : i64, tpu.core_type = #tpu.core_type<sc_vector_subcore>, window_params = [{transform_indices = #map}, {transform_indices = #map1}]} {
    %mul3A = arith.constant 16 : i32
    %mul3A_0 = arith.muli %arg0, %mul3A : i32
    %add3A = arith.addi %mul3A_0, %arg1 : i32
    %broadcast_in_dim3A = arith.constant 1.000000e+00 : f32
    %broadcast_in_dim3A_1 = vector.broadcast %broadcast_in_dim3A : f32 to vector<16xf32>
    %swap3A = arith.constant 0 : index
    %swap3A_2 = tpu.vector_load %arg5[%swap3A] {strides = array<i32>} : memref<128xf32, #tpu.memory_space<vmem>>, vector<16xf32>,
    %swap3A_3 = vector.shape_cast %swap3A_2 : vector<16xf32> to vector<16xf32>
    %swap3A_4 = vector.shape_cast %broadcast_in_dim3A_1 : vector<16xf32> to vector<16xf32>
    tpu.vector_store %arg5[%swap3A], %swap3A_4 {strides = array<i32>} : memref<128xf32, #tpu.memory_space<vmem>>, vector<16xf32>,
    %broadcast_in_dim3A_5 = arith.constant 1.000000e+00 : f32
    %broadcast_in_dim3A_6 = vector.broadcast %broadcast_in_dim3A_5 : f32 to vector<16xf32>
    %swap3A_7 = arith.constant 16 : index
    %swap3A_8 = tpu.vector_load %arg5[%swap3A_7] {strides = array<i32>} : memref<128xf32, #tpu.memory_space<vmem>>, vector<16xf32>,
    %swap3A_9 = vector.shape_cast %swap3A_8 : vector<16xf32> to vector<16xf32>
    %swap3A_10 = vector.shape_cast %broadcast_in_dim3A_6 : vector<16xf32> to vector<16xf32>
    tpu.vector_store %arg5[%swap3A_7], %swap3A_10 {strides = array<i32>} : memref<128xf32, #tpu.memory_space<vmem>>, vector<16xf32>,
    %broadcast_in_dim3A_11 = arith.constant 1.000000e+00 : f32
    %broadcast_in_dim3A_12 = vector.broadcast %broadcast_in_dim3A_11 : f32 to vector<16xf32>
    %swap3A_13 = arith.constant 32 : index
    %swap3A_14 = tpu.vector_load %arg5[%swap3A_13] {strides = array<i32>} : memref<128xf32, #tpu.memory_space<vmem>>, vector<16xf32>,
    %swap3A_15 = vector.shape_cast %swap3A_14 : vector<16xf32> to vector<16xf32>
    %swap3A_16 = vector.shape_cast %broadcast_in_dim3A_12 : vector<16xf32> to vector<16xf32>
    tpu.vector_store %arg5[%swap3A_13], %swap3A_16 {strides = array<i32>} : memref<128xf32, #tpu.memory_space<vmem>>, vector<16xf32>,
    %broadcast_in_dim3A_17 = arith.constant 1.000000e+00 : f32
    %broadcast_in_dim3A_18 = vector.broadcast %broadcast_in_dim3A_17 : f32 to vector<16xf32>
    %swap3A_19 = arith.constant 48 : index
    %swap3A_20 = tpu.vector_load %arg5[%swap3A_19] {strides = array<i32>} : memref<128xf32, #tpu.memory_space<vmem>>, vector<16xf32>,
    %swap3A_21 = vector.shape_cast %swap3A_20 : vector<16xf32> to vector<16xf32>
    %swap3A_22 = vector.shape_cast %broadcast_in_dim3A_18 : vector<16xf32> to vector<16xf32>
    tpu.vector_store %arg5[%swap3A_19], %swap3A_22 {strides = array<i32>} : memref<128xf32, #tpu.memory_space<vmem>>, vector<16xf32>,
    %broadcast_in_dim3A_23 = arith.constant 1.000000e+00 : f32
    %broadcast_in_dim3A_24 = vector.broadcast %broadcast_in_dim3A_23 : f32 to vector<16xf32>
    %swap3A_25 = arith.constant 64 : index
    %swap3A_26 = tpu.vector_load %arg5[%swap3A_25] {strides = array<i32>} : memref<128xf32, #tpu.memory_space<vmem>>, vector<16xf32>,
    %swap3A_27 = vector.shape_cast %swap3A_26 : vector<16xf32> to vector<16xf32>
    %swap3A_28 = vector.shape_cast %broadcast_in_dim3A_24 : vector<16xf32> to vector<16xf32>
    tpu.vector_store %arg5[%swap3A_25], %swap3A_28 {strides = array<i32>} : memref<128xf32, #tpu.memory_space<vmem>>, vector<16xf32>,
    %broadcast_in_dim3A_29 = arith.constant 1.000000e+00 : f32
    %broadcast_in_dim3A_30 = vector.broadcast %broadcast_in_dim3A_29 : f32 to vector<16xf32>
    %swap3A_31 = arith.constant 80 : index
    %swap3A_32 = tpu.vector_load %arg5[%swap3A_31] {strides = array<i32>} : memref<128xf32, #tpu.memory_space<vmem>>, vector<16xf32>,
    %swap3A_33 = vector.shape_cast %swap3A_32 : vector<16xf32> to vector<16xf32>
    %swap3A_34 = vector.shape_cast %broadcast_in_dim3A_30 : vector<16xf32> to vector<16xf32>
    tpu.vector_store %arg5[%swap3A_31], %swap3A_34 {strides = array<i32>} : memref<128xf32, #tpu.memory_space<vmem>>, vector<16xf32>,
    %broadcast_in_dim3A_35 = arith.constant 1.000000e+00 : f32
    %broadcast_in_dim3A_36 = vector.broadcast %broadcast_in_dim3A_35 : f32 to vector<16xf32>
    %swap3A_37 = arith.constant 96 : index
    %swap3A_38 = tpu.vector_load %arg5[%swap3A_37] {strides = array<i32>} : memref<128xf32, #tpu.memory_space<vmem>>, vector<16xf32>,
    %swap3A_39 = vector.shape_cast %swap3A_38 : vector<16xf32> to vector<16xf32>
    %swap3A_40 = vector.shape_cast %broadcast_in_dim3A_36 : vector<16xf32> to vector<16xf32>
    tpu.vector_store %arg5[%swap3A_37], %swap3A_40 {strides = array<i32>} : memref<128xf32, #tpu.memory_space<vmem>>, vector<16xf32>,
    %broadcast_in_dim3A_41 = arith.constant 1.000000e+00 : f32
    %broadcast_in_dim3A_42 = vector.broadcast %broadcast_in_dim3A_41 : f32 to vector<16xf32>
    %swap3A_43 = arith.constant 112 : index
    %swap3A_44 = tpu.vector_load %arg5[%swap3A_43] {strides = array<i32>} : memref<128xf32, #tpu.memory_space<vmem>>, vector<16xf32>,
    %swap3A_45 = vector.shape_cast %swap3A_44 : vector<16xf32> to vector<16xf32>
    %swap3A_46 = vector.shape_cast %broadcast_in_dim3A_42 : vector<16xf32> to vector<16xf32>
    tpu.vector_store %arg5[%swap3A_43], %swap3A_46 {strides = array<i32>} : memref<128xf32, #tpu.memory_space<vmem>>, vector<16xf32>,
    %scan3A = arith.constant 0 : i32
    %scan3A_47 = arith.constant 0 : i32
    %scan3A_48 = arith.constant 40 : i32
    %scan3A_49 = arith.addi %scan3A_47, %scan3A_48 : i32
    %scan3A_50 = arith.constant 1 : i32
    %scan3A_51 = scf.for %scan3A_76 = %scan3A_47 to %scan3A_49 step %scan3A_50 iter_args(%scan3A_77 = %scan3A) -> (i32)  : i32 {
      %broadcast_in_dim3A_78 = arith.constant 0.000000e+00 : f32
      %broadcast_in_dim3A_79 = vector.broadcast %broadcast_in_dim3A_78 : f32 to vector<16xf32>
      %mul3A_80 = arith.constant 16 : i32
      %mul3A_81 = arith.muli %scan3A_76, %mul3A_80 : i32
      %swap3A_82 = arith.index_cast %mul3A_81 : i32 to index
      %swap3A_83 = tpu.vector_load %arg6[%swap3A_82] {strides = array<i32>} : memref<640xf32, #tpu.memory_space<vmem>>, vector<16xf32>,
      %swap3A_84 = vector.shape_cast %swap3A_83 : vector<16xf32> to vector<16xf32>
      %swap3A_85 = vector.shape_cast %broadcast_in_dim3A_79 : vector<16xf32> to vector<16xf32>
      tpu.vector_store %arg6[%swap3A_82], %swap3A_85 {strides = array<i32>} : memref<640xf32, #tpu.memory_space<vmem>>, vector<16xf32>,
      %scan3A_86 = arith.constant 0 : i32
      scf.yield %scan3A_86 : i32
    }
    %scan3A_52 = arith.constant 40 : i32
    %mul3A_53 = arith.constant 640 : i32
    %mul3A_54 = arith.muli %arg1, %mul3A_53 : i32
    "tpu.region"() ({
      %run_scoped3A_76 = tpu.sem_alloc : memref<!tpu.dma_semaphore, #tpu.memory_space<semaphore_mem>>
      %dma_start3A = tpu.memref_slice %arg7[%mul3A_54] : memref<10240xf32, #tpu.memory_space<vmem_shared>> -> memref<640xf32, #tpu.memory_space<vmem_shared>>
      %dma_start3A_77 = tpu.memref_slice %arg7[%mul3A_54] : memref<10240xf32, #tpu.memory_space<vmem_shared>> -> memref<640xf32, #tpu.memory_space<vmem_shared>>
      tpu.enqueue_dma source(%arg6 : memref<640xf32, #tpu.memory_space<vmem>>) target(%dma_start3A_77 : memref<640xf32, #tpu.memory_space<vmem_shared>>) target_semaphore(%run_scoped3A_76 : memref<!tpu.dma_semaphore, #tpu.memory_space<semaphore_mem>>)
      %dma_wait3A = tpu.memref_slice %arg7[%mul3A_54] : memref<10240xf32, #tpu.memory_space<vmem_shared>> -> memref<640xf32, #tpu.memory_space<vmem_shared>>
      %dma_wait3A_78 = tpu.memref_slice %arg7[%mul3A_54] : memref<10240xf32, #tpu.memory_space<vmem_shared>> -> memref<640xf32, #tpu.memory_space<vmem_shared>>
      tpu.wait_dma2 semaphore(%run_scoped3A_76 : memref<!tpu.dma_semaphore, #tpu.memory_space<semaphore_mem>>) src(%arg6 : memref<640xf32, #tpu.memory_space<vmem>>) dst(%dma_wait3A_78 : memref<640xf32, #tpu.memory_space<vmem_shared>>)
      tpu.yield
    }) : () -> ()
    %mul3A_55 = arith.constant 80 : i32
    %mul3A_56 = arith.muli %add3A, %mul3A_55 : i32
    %run_scoped3A = arith.constant 1 : i32
    "tpu.region"() ({
      %run_scoped3A_76 = tpu.sem_alloc : memref<!tpu.dma_semaphore, #tpu.memory_space<semaphore_mem>>
      %dma_start3A = arith.constant 0 : i32
      %dma_start3A_77 = tpu.memref_slice %arg2[%run_scoped3A, %mul3A_56, %dma_start3A] : memref<2x2560x128xi32, #tpu.memory_space<hbm>> -> memref<1x80x128xi32, #tpu.memory_space<hbm>>
      %dma_start3A_78 = tpu.memref_squeeze %dma_start3A_77 : memref<1x80x128xi32, #tpu.memory_space<hbm>> -> memref<80x128xi32, #tpu.memory_space<hbm>>
      %dma_start3A_79 = arith.constant 0 : i32
      %dma_start3A_80 = tpu.memref_slice %arg2[%run_scoped3A, %mul3A_56, %dma_start3A_79] : memref<2x2560x128xi32, #tpu.memory_space<hbm>> -> memref<1x80x128xi32, #tpu.memory_space<hbm>>
      %dma_start3A_81 = tpu.memref_squeeze %dma_start3A_80 : memref<1x80x128xi32, #tpu.memory_space<hbm>> -> memref<80x128xi32, #tpu.memory_space<hbm>>
      tpu.enqueue_dma source(%dma_start3A_81 : memref<80x128xi32, #tpu.memory_space<hbm>>) target(%arg4 : memref<80x128xi32, #tpu.memory_space<vmem>>) target_semaphore(%run_scoped3A_76 : memref<!tpu.dma_semaphore, #tpu.memory_space<semaphore_mem>>)
      %dma_wait3A = arith.constant 0 : i32
      %dma_wait3A_82 = tpu.memref_slice %arg2[%run_scoped3A, %mul3A_56, %dma_wait3A] : memref<2x2560x128xi32, #tpu.memory_space<hbm>> -> memref<1x80x128xi32, #tpu.memory_space<hbm>>
      %dma_wait3A_83 = tpu.memref_squeeze %dma_wait3A_82 : memref<1x80x128xi32, #tpu.memory_space<hbm>> -> memref<80x128xi32, #tpu.memory_space<hbm>>
      %dma_wait3A_84 = arith.constant 0 : i32
      %dma_wait3A_85 = tpu.memref_slice %arg2[%run_scoped3A, %mul3A_56, %dma_wait3A_84] : memref<2x2560x128xi32, #tpu.memory_space<hbm>> -> memref<1x80x128xi32, #tpu.memory_space<hbm>>
      %dma_wait3A_86 = tpu.memref_squeeze %dma_wait3A_85 : memref<1x80x128xi32, #tpu.memory_space<hbm>> -> memref<80x128xi32, #tpu.memory_space<hbm>>
      tpu.wait_dma2 semaphore(%run_scoped3A_76 : memref<!tpu.dma_semaphore, #tpu.memory_space<semaphore_mem>>) src(%dma_wait3A_86 : memref<80x128xi32, #tpu.memory_space<hbm>>) dst(%arg4 : memref<80x128xi32, #tpu.memory_space<vmem>>)
      tpu.yield
    }) : () -> ()
    %barrier3A = arith.constant 0 : index
    tpu.barrier barrier_id(%barrier3A)
    %scan3A_57 = arith.constant 0 : i32
    %scan3A_58 = arith.constant 0 : i32
    %scan3A_59 = arith.constant 80 : i32
    %scan3A_60 = arith.addi %scan3A_58, %scan3A_59 : i32
    %scan3A_61 = arith.constant 1 : i32
    %scan3A_62 = scf.for %scan3A_76 = %scan3A_58 to %scan3A_60 step %scan3A_61 iter_args(%scan3A_77 = %scan3A_57) -> (i32)  : i32 {
      %dma_start3A = arith.constant 0 : i32
      %dma_start3A_78 = tpu.memref_slice %arg4[%scan3A_76, %dma_start3A] : memref<80x128xi32, #tpu.memory_space<vmem>> -> memref<1x128xi32, #tpu.memory_space<vmem>>
      %dma_start3A_79 = tpu.memref_squeeze %dma_start3A_78 : memref<1x128xi32, #tpu.memory_space<vmem>> -> memref<128xi32, #tpu.memory_space<vmem>>
      %dma_start3A_80 = arith.constant 0 : i32
      %dma_start3A_81 = tpu.memref_slice %arg7[%dma_start3A_80] : memref<10240xf32, #tpu.memory_space<vmem_shared>> -> memref<10240xf32, #tpu.memory_space<vmem_shared>>
      tpu.enqueue_indirect_dma source(%arg5 : memref<128xf32, #tpu.memory_space<vmem>>) target(%dma_start3A_81 : memref<10240xf32, #tpu.memory_space<vmem_shared>>) offsets(%dma_start3A_79 : memref<128xi32, #tpu.memory_space<vmem>>) semaphore(%arg8 : memref<!tpu.dma_semaphore, #tpu.memory_space<semaphore_mem>>) {add = true}
      %scan3A_82 = arith.constant 0 : i32
      scf.yield %scan3A_82 : i32
    }
    %scan3A_63 = arith.constant 80 : i32
    %scan3A_64 = arith.constant 0 : i32
    %scan3A_65 = arith.constant 0 : i32
    %scan3A_66 = arith.constant 80 : i32
    %scan3A_67 = arith.addi %scan3A_65, %scan3A_66 : i32
    %scan3A_68 = arith.constant 1 : i32
    %scan3A_69 = scf.for %scan3A_76 = %scan3A_65 to %scan3A_67 step %scan3A_68 iter_args(%scan3A_77 = %scan3A_64) -> (i32)  : i32 {
      %dma_wait3A = arith.constant 0 : i32
      %dma_wait3A_78 = arith.constant 0 : i32
      %dma_wait3A_79 = tpu.memref_slice %arg4[%dma_wait3A, %dma_wait3A_78] : memref<80x128xi32, #tpu.memory_space<vmem>> -> memref<1x128xi32, #tpu.memory_space<vmem>>
      %dma_wait3A_80 = tpu.memref_squeeze %dma_wait3A_79 : memref<1x128xi32, #tpu.memory_space<vmem>> -> memref<128xi32, #tpu.memory_space<vmem>>
      %dma_wait3A_81 = arith.constant 0 : i32
      %dma_wait3A_82 = tpu.memref_slice %arg7[%dma_wait3A_81] : memref<10240xf32, #tpu.memory_space<vmem_shared>> -> memref<10240xf32, #tpu.memory_space<vmem_shared>>
      tpu.wait_indirect_dma semaphore(%arg8 : memref<!tpu.dma_semaphore, #tpu.memory_space<semaphore_mem>>) src(%arg5 : memref<128xf32, #tpu.memory_space<vmem>>) dst(%dma_wait3A_82 : memref<10240xf32, #tpu.memory_space<vmem_shared>>)
      %scan3A_83 = arith.constant 0 : i32
      scf.yield %scan3A_83 : i32
    }
    %scan3A_70 = arith.constant 80 : i32
    %barrier3A_71 = arith.constant 0 : index
    tpu.barrier barrier_id(%barrier3A_71)
    %mul3A_72 = arith.constant 640 : i32
    %mul3A_73 = arith.muli %arg1, %mul3A_72 : i32
    %mul3A_74 = arith.constant 640 : i32
    %mul3A_75 = arith.muli %arg1, %mul3A_74 : i32
    "tpu.region"() ({
      %run_scoped3A_76 = tpu.sem_alloc : memref<!tpu.dma_semaphore, #tpu.memory_space<semaphore_mem>>
      %dma_start3A = tpu.memref_slice %arg3[%arg0, %mul3A_75] : memref<2x10240xf32, #tpu.memory_space<hbm>> -> memref<1x640xf32, #tpu.memory_space<hbm>>
      %dma_start3A_77 = tpu.memref_squeeze %dma_start3A : memref<1x640xf32, #tpu.memory_space<hbm>> -> memref<640xf32, #tpu.memory_space<hbm>>
      %dma_start3A_78 = tpu.memref_slice %arg7[%mul3A_73] : memref<10240xf32, #tpu.memory_space<vmem_shared>> -> memref<640xf32, #tpu.memory_space<vmem_shared>>
      tpu.enqueue_dma source(%dma_start3A_78 : memref<640xf32, #tpu.memory_space<vmem_shared>>) target(%dma_start3A_77 : memref<640xf32, #tpu.memory_space<hbm>>) target_semaphore(%run_scoped3A_76 : memref<!tpu.dma_semaphore, #tpu.memory_space<semaphore_mem>>)
      %dma_wait3A = tpu.memref_slice %arg3[%arg0, %mul3A_75] : memref<2x10240xf32, #tpu.memory_space<hbm>> -> memref<1x640xf32, #tpu.memory_space<hbm>>
      %dma_wait3A_79 = tpu.memref_squeeze %dma_wait3A : memref<1x640xf32, #tpu.memory_space<hbm>> -> memref<640xf32, #tpu.memory_space<hbm>>
      %dma_wait3A_80 = tpu.memref_slice %arg7[%mul3A_73] : memref<10240xf32, #tpu.memory_space<vmem_shared>> -> memref<640xf32, #tpu.memory_space<vmem_shared>>
      tpu.wait_dma2 semaphore(%run_scoped3A_76 : memref<!tpu.dma_semaphore, #tpu.memory_space<semaphore_mem>>) src(%dma_wait3A_80 : memref<640xf32, #tpu.memory_space<vmem_shared>>) dst(%dma_wait3A_79 : memref<640xf32, #tpu.memory_space<hbm>>)
      tpu.yield
    }) : () -> ()
    return
  }
}

#map = affine_map<(d0, d1) -> (0, 0, 0)>
#map1 = affine_map<(d0, d1) -> (0, 0)>
module attributes {stable_mosaic.version = 14 : i64} {
  func.func @k(%arg0: i32, %arg1: i32, %arg2: memref<2x2560x128xi32, #tpu.memory_space<hbm>>, %arg3: memref<10000x128xf32, #tpu.memory_space<hbm>>, %arg4: memref<2x10240x128xf32, #tpu.memory_space<hbm>>, %arg5: memref<40x128xi32, #tpu.memory_space<vmem>>, %arg6: memref<40x128xi32, #tpu.memory_space<vmem>>, %arg7: memref<128x128xf32, #tpu.memory_space<vmem>>, %arg8: memref<128x128xf32, #tpu.memory_space<vmem>>, %arg9: memref<10240x128xf32, #tpu.memory_space<vmem_shared>>, %arg10: memref<!tpu.dma_semaphore, #tpu.memory_space<semaphore_mem>>, %arg11: memref<!tpu.dma_semaphore, #tpu.memory_space<semaphore_mem>>) attributes {dimension_semantics = [#tpu.dimension_semantics<core_parallel>, #tpu.dimension_semantics<subcore_parallel>], iteration_bounds = array<i64: 2, 16>, scalar_prefetch = 0 : i64, scratch_operands = 7 : i64, tpu.core_type = #tpu.core_type<sc_vector_subcore>, window_params = [{transform_indices = #map}, {transform_indices = #map1}, {transform_indices = #map}]} {
    %mul3A = arith.constant 16 : i32
    %mul3A_0 = arith.muli %arg0, %mul3A : i32
    %add3A = arith.addi %mul3A_0, %arg1 : i32
    %scan3A = arith.constant 0 : i32
    %scan3A_1 = arith.constant 0 : i32
    %scan3A_2 = arith.constant 128 : i32
    %scan3A_3 = arith.addi %scan3A_1, %scan3A_2 : i32
    %scan3A_4 = arith.constant 1 : i32
    %scan3A_5 = scf.for %scan3A_39 = %scan3A_1 to %scan3A_3 step %scan3A_4 iter_args(%scan3A_40 = %scan3A) -> (i32)  : i32 {
      %broadcast_in_dim3A = arith.constant 0.000000e+00 : f32
      %broadcast_in_dim3A_41 = vector.broadcast %broadcast_in_dim3A : f32 to vector<16xf32>
      %swap3A = arith.index_cast %scan3A_39 : i32 to index
      %swap3A_42 = arith.constant 0 : index
      %swap3A_43 = tpu.vector_load %arg7[%swap3A, %swap3A_42] {strides = array<i32>} : memref<128x128xf32, #tpu.memory_space<vmem>>, vector<1x16xf32>,
      %swap3A_44 = vector.shape_cast %swap3A_43 : vector<1x16xf32> to vector<16xf32>
      %swap3A_45 = vector.shape_cast %broadcast_in_dim3A_41 : vector<16xf32> to vector<1x16xf32>
      tpu.vector_store %arg7[%swap3A, %swap3A_42], %swap3A_45 {strides = array<i32>} : memref<128x128xf32, #tpu.memory_space<vmem>>, vector<1x16xf32>,
      %broadcast_in_dim3A_46 = arith.constant 0.000000e+00 : f32
      %broadcast_in_dim3A_47 = vector.broadcast %broadcast_in_dim3A_46 : f32 to vector<16xf32>
      %swap3A_48 = arith.index_cast %scan3A_39 : i32 to index
      %swap3A_49 = arith.constant 16 : index
      %swap3A_50 = tpu.vector_load %arg7[%swap3A_48, %swap3A_49] {strides = array<i32>} : memref<128x128xf32, #tpu.memory_space<vmem>>, vector<1x16xf32>,
      %swap3A_51 = vector.shape_cast %swap3A_50 : vector<1x16xf32> to vector<16xf32>
      %swap3A_52 = vector.shape_cast %broadcast_in_dim3A_47 : vector<16xf32> to vector<1x16xf32>
      tpu.vector_store %arg7[%swap3A_48, %swap3A_49], %swap3A_52 {strides = array<i32>} : memref<128x128xf32, #tpu.memory_space<vmem>>, vector<1x16xf32>,
      %broadcast_in_dim3A_53 = arith.constant 0.000000e+00 : f32
      %broadcast_in_dim3A_54 = vector.broadcast %broadcast_in_dim3A_53 : f32 to vector<16xf32>
      %swap3A_55 = arith.index_cast %scan3A_39 : i32 to index
      %swap3A_56 = arith.constant 32 : index
      %swap3A_57 = tpu.vector_load %arg7[%swap3A_55, %swap3A_56] {strides = array<i32>} : memref<128x128xf32, #tpu.memory_space<vmem>>, vector<1x16xf32>,
      %swap3A_58 = vector.shape_cast %swap3A_57 : vector<1x16xf32> to vector<16xf32>
      %swap3A_59 = vector.shape_cast %broadcast_in_dim3A_54 : vector<16xf32> to vector<1x16xf32>
      tpu.vector_store %arg7[%swap3A_55, %swap3A_56], %swap3A_59 {strides = array<i32>} : memref<128x128xf32, #tpu.memory_space<vmem>>, vector<1x16xf32>,
      %broadcast_in_dim3A_60 = arith.constant 0.000000e+00 : f32
      %broadcast_in_dim3A_61 = vector.broadcast %broadcast_in_dim3A_60 : f32 to vector<16xf32>
      %swap3A_62 = arith.index_cast %scan3A_39 : i32 to index
      %swap3A_63 = arith.constant 48 : index
      %swap3A_64 = tpu.vector_load %arg7[%swap3A_62, %swap3A_63] {strides = array<i32>} : memref<128x128xf32, #tpu.memory_space<vmem>>, vector<1x16xf32>,
      %swap3A_65 = vector.shape_cast %swap3A_64 : vector<1x16xf32> to vector<16xf32>
      %swap3A_66 = vector.shape_cast %broadcast_in_dim3A_61 : vector<16xf32> to vector<1x16xf32>
      tpu.vector_store %arg7[%swap3A_62, %swap3A_63], %swap3A_66 {strides = array<i32>} : memref<128x128xf32, #tpu.memory_space<vmem>>, vector<1x16xf32>,
      %broadcast_in_dim3A_67 = arith.constant 0.000000e+00 : f32
      %broadcast_in_dim3A_68 = vector.broadcast %broadcast_in_dim3A_67 : f32 to vector<16xf32>
      %swap3A_69 = arith.index_cast %scan3A_39 : i32 to index
      %swap3A_70 = arith.constant 64 : index
      %swap3A_71 = tpu.vector_load %arg7[%swap3A_69, %swap3A_70] {strides = array<i32>} : memref<128x128xf32, #tpu.memory_space<vmem>>, vector<1x16xf32>,
      %swap3A_72 = vector.shape_cast %swap3A_71 : vector<1x16xf32> to vector<16xf32>
      %swap3A_73 = vector.shape_cast %broadcast_in_dim3A_68 : vector<16xf32> to vector<1x16xf32>
      tpu.vector_store %arg7[%swap3A_69, %swap3A_70], %swap3A_73 {strides = array<i32>} : memref<128x128xf32, #tpu.memory_space<vmem>>, vector<1x16xf32>,
      %broadcast_in_dim3A_74 = arith.constant 0.000000e+00 : f32
      %broadcast_in_dim3A_75 = vector.broadcast %broadcast_in_dim3A_74 : f32 to vector<16xf32>
      %swap3A_76 = arith.index_cast %scan3A_39 : i32 to index
      %swap3A_77 = arith.constant 80 : index
      %swap3A_78 = tpu.vector_load %arg7[%swap3A_76, %swap3A_77] {strides = array<i32>} : memref<128x128xf32, #tpu.memory_space<vmem>>, vector<1x16xf32>,
      %swap3A_79 = vector.shape_cast %swap3A_78 : vector<1x16xf32> to vector<16xf32>
      %swap3A_80 = vector.shape_cast %broadcast_in_dim3A_75 : vector<16xf32> to vector<1x16xf32>
      tpu.vector_store %arg7[%swap3A_76, %swap3A_77], %swap3A_80 {strides = array<i32>} : memref<128x128xf32, #tpu.memory_space<vmem>>, vector<1x16xf32>,
      %broadcast_in_dim3A_81 = arith.constant 0.000000e+00 : f32
      %broadcast_in_dim3A_82 = vector.broadcast %broadcast_in_dim3A_81 : f32 to vector<16xf32>
      %swap3A_83 = arith.index_cast %scan3A_39 : i32 to index
      %swap3A_84 = arith.constant 96 : index
      %swap3A_85 = tpu.vector_load %arg7[%swap3A_83, %swap3A_84] {strides = array<i32>} : memref<128x128xf32, #tpu.memory_space<vmem>>, vector<1x16xf32>,
      %swap3A_86 = vector.shape_cast %swap3A_85 : vector<1x16xf32> to vector<16xf32>
      %swap3A_87 = vector.shape_cast %broadcast_in_dim3A_82 : vector<16xf32> to vector<1x16xf32>
      tpu.vector_store %arg7[%swap3A_83, %swap3A_84], %swap3A_87 {strides = array<i32>} : memref<128x128xf32, #tpu.memory_space<vmem>>, vector<1x16xf32>,
      %broadcast_in_dim3A_88 = arith.constant 0.000000e+00 : f32
      %broadcast_in_dim3A_89 = vector.broadcast %broadcast_in_dim3A_88 : f32 to vector<16xf32>
      %swap3A_90 = arith.index_cast %scan3A_39 : i32 to index
      %swap3A_91 = arith.constant 112 : index
      %swap3A_92 = tpu.vector_load %arg7[%swap3A_90, %swap3A_91] {strides = array<i32>} : memref<128x128xf32, #tpu.memory_space<vmem>>, vector<1x16xf32>,
      %swap3A_93 = vector.shape_cast %swap3A_92 : vector<1x16xf32> to vector<16xf32>
      %swap3A_94 = vector.shape_cast %broadcast_in_dim3A_89 : vector<16xf32> to vector<1x16xf32>
      tpu.vector_store %arg7[%swap3A_90, %swap3A_91], %swap3A_94 {strides = array<i32>} : memref<128x128xf32, #tpu.memory_space<vmem>>, vector<1x16xf32>,
      %scan3A_95 = arith.constant 0 : i32
      scf.yield %scan3A_95 : i32
    }
    %scan3A_6 = arith.constant 128 : i32
    %mul3A_7 = arith.constant 640 : i32
    %mul3A_8 = arith.muli %arg1, %mul3A_7 : i32
    %add3A_9 = arith.constant 0 : i32
    %add3A_10 = arith.addi %mul3A_8, %add3A_9 : i32
    "tpu.region"() ({
      %run_scoped3A = tpu.sem_alloc : memref<!tpu.dma_semaphore, #tpu.memory_space<semaphore_mem>>
      %dma_start3A = arith.constant 0 : i32
      %dma_start3A_39 = tpu.memref_slice %arg9[%add3A_10, %dma_start3A] : memref<10240x128xf32, #tpu.memory_space<vmem_shared>> -> memref<128x128xf32, #tpu.memory_space<vmem_shared>>
      %dma_start3A_40 = arith.constant 0 : i32
      %dma_start3A_41 = tpu.memref_slice %arg9[%add3A_10, %dma_start3A_40] : memref<10240x128xf32, #tpu.memory_space<vmem_shared>> -> memref<128x128xf32, #tpu.memory_space<vmem_shared>>
      tpu.enqueue_dma source(%arg7 : memref<128x128xf32, #tpu.memory_space<vmem>>) target(%dma_start3A_41 : memref<128x128xf32, #tpu.memory_space<vmem_shared>>) target_semaphore(%run_scoped3A : memref<!tpu.dma_semaphore, #tpu.memory_space<semaphore_mem>>)
      %dma_wait3A = arith.constant 0 : i32
      %dma_wait3A_42 = tpu.memref_slice %arg9[%add3A_10, %dma_wait3A] : memref<10240x128xf32, #tpu.memory_space<vmem_shared>> -> memref<128x128xf32, #tpu.memory_space<vmem_shared>>
      %dma_wait3A_43 = arith.constant 0 : i32
      %dma_wait3A_44 = tpu.memref_slice %arg9[%add3A_10, %dma_wait3A_43] : memref<10240x128xf32, #tpu.memory_space<vmem_shared>> -> memref<128x128xf32, #tpu.memory_space<vmem_shared>>
      tpu.wait_dma2 semaphore(%run_scoped3A : memref<!tpu.dma_semaphore, #tpu.memory_space<semaphore_mem>>) src(%arg7 : memref<128x128xf32, #tpu.memory_space<vmem>>) dst(%dma_wait3A_44 : memref<128x128xf32, #tpu.memory_space<vmem_shared>>)
      tpu.yield
    }) : () -> ()
    %mul3A_11 = arith.constant 640 : i32
    %mul3A_12 = arith.muli %arg1, %mul3A_11 : i32
    %add3A_13 = arith.constant 128 : i32
    %add3A_14 = arith.addi %mul3A_12, %add3A_13 : i32
    "tpu.region"() ({
      %run_scoped3A = tpu.sem_alloc : memref<!tpu.dma_semaphore, #tpu.memory_space<semaphore_mem>>
      %dma_start3A = arith.constant 0 : i32
      %dma_start3A_39 = tpu.memref_slice %arg9[%add3A_14, %dma_start3A] : memref<10240x128xf32, #tpu.memory_space<vmem_shared>> -> memref<128x128xf32, #tpu.memory_space<vmem_shared>>
      %dma_start3A_40 = arith.constant 0 : i32
      %dma_start3A_41 = tpu.memref_slice %arg9[%add3A_14, %dma_start3A_40] : memref<10240x128xf32, #tpu.memory_space<vmem_shared>> -> memref<128x128xf32, #tpu.memory_space<vmem_shared>>
      tpu.enqueue_dma source(%arg7 : memref<128x128xf32, #tpu.memory_space<vmem>>) target(%dma_start3A_41 : memref<128x128xf32, #tpu.memory_space<vmem_shared>>) target_semaphore(%run_scoped3A : memref<!tpu.dma_semaphore, #tpu.memory_space<semaphore_mem>>)
      %dma_wait3A = arith.constant 0 : i32
      %dma_wait3A_42 = tpu.memref_slice %arg9[%add3A_14, %dma_wait3A] : memref<10240x128xf32, #tpu.memory_space<vmem_shared>> -> memref<128x128xf32, #tpu.memory_space<vmem_shared>>
      %dma_wait3A_43 = arith.constant 0 : i32
      %dma_wait3A_44 = tpu.memref_slice %arg9[%add3A_14, %dma_wait3A_43] : memref<10240x128xf32, #tpu.memory_space<vmem_shared>> -> memref<128x128xf32, #tpu.memory_space<vmem_shared>>
      tpu.wait_dma2 semaphore(%run_scoped3A : memref<!tpu.dma_semaphore, #tpu.memory_space<semaphore_mem>>) src(%arg7 : memref<128x128xf32, #tpu.memory_space<vmem>>) dst(%dma_wait3A_44 : memref<128x128xf32, #tpu.memory_space<vmem_shared>>)
      tpu.yield
    }) : () -> ()
    %mul3A_15 = arith.constant 640 : i32
    %mul3A_16 = arith.muli %arg1, %mul3A_15 : i32
    %add3A_17 = arith.constant 256 : i32
    %add3A_18 = arith.addi %mul3A_16, %add3A_17 : i32
    "tpu.region"() ({
      %run_scoped3A = tpu.sem_alloc : memref<!tpu.dma_semaphore, #tpu.memory_space<semaphore_mem>>
      %dma_start3A = arith.constant 0 : i32
      %dma_start3A_39 = tpu.memref_slice %arg9[%add3A_18, %dma_start3A] : memref<10240x128xf32, #tpu.memory_space<vmem_shared>> -> memref<128x128xf32, #tpu.memory_space<vmem_shared>>
      %dma_start3A_40 = arith.constant 0 : i32
      %dma_start3A_41 = tpu.memref_slice %arg9[%add3A_18, %dma_start3A_40] : memref<10240x128xf32, #tpu.memory_space<vmem_shared>> -> memref<128x128xf32, #tpu.memory_space<vmem_shared>>
      tpu.enqueue_dma source(%arg7 : memref<128x128xf32, #tpu.memory_space<vmem>>) target(%dma_start3A_41 : memref<128x128xf32, #tpu.memory_space<vmem_shared>>) target_semaphore(%run_scoped3A : memref<!tpu.dma_semaphore, #tpu.memory_space<semaphore_mem>>)
      %dma_wait3A = arith.constant 0 : i32
      %dma_wait3A_42 = tpu.memref_slice %arg9[%add3A_18, %dma_wait3A] : memref<10240x128xf32, #tpu.memory_space<vmem_shared>> -> memref<128x128xf32, #tpu.memory_space<vmem_shared>>
      %dma_wait3A_43 = arith.constant 0 : i32
      %dma_wait3A_44 = tpu.memref_slice %arg9[%add3A_18, %dma_wait3A_43] : memref<10240x128xf32, #tpu.memory_space<vmem_shared>> -> memref<128x128xf32, #tpu.memory_space<vmem_shared>>
      tpu.wait_dma2 semaphore(%run_scoped3A : memref<!tpu.dma_semaphore, #tpu.memory_space<semaphore_mem>>) src(%arg7 : memref<128x128xf32, #tpu.memory_space<vmem>>) dst(%dma_wait3A_44 : memref<128x128xf32, #tpu.memory_space<vmem_shared>>)
      tpu.yield
    }) : () -> ()
    %mul3A_19 = arith.constant 640 : i32
    %mul3A_20 = arith.muli %arg1, %mul3A_19 : i32
    %add3A_21 = arith.constant 384 : i32
    %add3A_22 = arith.addi %mul3A_20, %add3A_21 : i32
    "tpu.region"() ({
      %run_scoped3A = tpu.sem_alloc : memref<!tpu.dma_semaphore, #tpu.memory_space<semaphore_mem>>
      %dma_start3A = arith.constant 0 : i32
      %dma_start3A_39 = tpu.memref_slice %arg9[%add3A_22, %dma_start3A] : memref<10240x128xf32, #tpu.memory_space<vmem_shared>> -> memref<128x128xf32, #tpu.memory_space<vmem_shared>>
      %dma_start3A_40 = arith.constant 0 : i32
      %dma_start3A_41 = tpu.memref_slice %arg9[%add3A_22, %dma_start3A_40] : memref<10240x128xf32, #tpu.memory_space<vmem_shared>> -> memref<128x128xf32, #tpu.memory_space<vmem_shared>>
      tpu.enqueue_dma source(%arg7 : memref<128x128xf32, #tpu.memory_space<vmem>>) target(%dma_start3A_41 : memref<128x128xf32, #tpu.memory_space<vmem_shared>>) target_semaphore(%run_scoped3A : memref<!tpu.dma_semaphore, #tpu.memory_space<semaphore_mem>>)
      %dma_wait3A = arith.constant 0 : i32
      %dma_wait3A_42 = tpu.memref_slice %arg9[%add3A_22, %dma_wait3A] : memref<10240x128xf32, #tpu.memory_space<vmem_shared>> -> memref<128x128xf32, #tpu.memory_space<vmem_shared>>
      %dma_wait3A_43 = arith.constant 0 : i32
      %dma_wait3A_44 = tpu.memref_slice %arg9[%add3A_22, %dma_wait3A_43] : memref<10240x128xf32, #tpu.memory_space<vmem_shared>> -> memref<128x128xf32, #tpu.memory_space<vmem_shared>>
      tpu.wait_dma2 semaphore(%run_scoped3A : memref<!tpu.dma_semaphore, #tpu.memory_space<semaphore_mem>>) src(%arg7 : memref<128x128xf32, #tpu.memory_space<vmem>>) dst(%dma_wait3A_44 : memref<128x128xf32, #tpu.memory_space<vmem_shared>>)
      tpu.yield
    }) : () -> ()
    %mul3A_23 = arith.constant 640 : i32
    %mul3A_24 = arith.muli %arg1, %mul3A_23 : i32
    %add3A_25 = arith.constant 512 : i32
    %add3A_26 = arith.addi %mul3A_24, %add3A_25 : i32
    "tpu.region"() ({
      %run_scoped3A = tpu.sem_alloc : memref<!tpu.dma_semaphore, #tpu.memory_space<semaphore_mem>>
      %dma_start3A = arith.constant 0 : i32
      %dma_start3A_39 = tpu.memref_slice %arg9[%add3A_26, %dma_start3A] : memref<10240x128xf32, #tpu.memory_space<vmem_shared>> -> memref<128x128xf32, #tpu.memory_space<vmem_shared>>
      %dma_start3A_40 = arith.constant 0 : i32
      %dma_start3A_41 = tpu.memref_slice %arg9[%add3A_26, %dma_start3A_40] : memref<10240x128xf32, #tpu.memory_space<vmem_shared>> -> memref<128x128xf32, #tpu.memory_space<vmem_shared>>
      tpu.enqueue_dma source(%arg7 : memref<128x128xf32, #tpu.memory_space<vmem>>) target(%dma_start3A_41 : memref<128x128xf32, #tpu.memory_space<vmem_shared>>) target_semaphore(%run_scoped3A : memref<!tpu.dma_semaphore, #tpu.memory_space<semaphore_mem>>)
      %dma_wait3A = arith.constant 0 : i32
      %dma_wait3A_42 = tpu.memref_slice %arg9[%add3A_26, %dma_wait3A] : memref<10240x128xf32, #tpu.memory_space<vmem_shared>> -> memref<128x128xf32, #tpu.memory_space<vmem_shared>>
      %dma_wait3A_43 = arith.constant 0 : i32
      %dma_wait3A_44 = tpu.memref_slice %arg9[%add3A_26, %dma_wait3A_43] : memref<10240x128xf32, #tpu.memory_space<vmem_shared>> -> memref<128x128xf32, #tpu.memory_space<vmem_shared>>
      tpu.wait_dma2 semaphore(%run_scoped3A : memref<!tpu.dma_semaphore, #tpu.memory_space<semaphore_mem>>) src(%arg7 : memref<128x128xf32, #tpu.memory_space<vmem>>) dst(%dma_wait3A_44 : memref<128x128xf32, #tpu.memory_space<vmem_shared>>)
      tpu.yield
    }) : () -> ()
    %barrier3A = arith.constant 0 : index
    tpu.barrier barrier_id(%barrier3A)
    %scan3A_27 = arith.constant 0 : i32
    %scan3A_28 = arith.constant 0 : i32
    %scan3A_29 = arith.constant 2 : i32
    %scan3A_30 = arith.addi %scan3A_28, %scan3A_29 : i32
    %scan3A_31 = arith.constant 1 : i32
    %scan3A_32 = scf.for %scan3A_39 = %scan3A_28 to %scan3A_30 step %scan3A_31 iter_args(%scan3A_40 = %scan3A_27) -> (i32)  : i32 {
      %mul3A_41 = arith.constant 80 : i32
      %mul3A_42 = arith.muli %add3A, %mul3A_41 : i32
      %mul3A_43 = arith.constant 40 : i32
      %mul3A_44 = arith.muli %scan3A_39, %mul3A_43 : i32
      %add3A_45 = arith.addi %mul3A_42, %mul3A_44 : i32
      %run_scoped3A = arith.constant 0 : i32
      "tpu.region"() ({
        %run_scoped3A_81 = tpu.sem_alloc : memref<!tpu.dma_semaphore, #tpu.memory_space<semaphore_mem>>
        %dma_start3A_82 = arith.constant 0 : i32
        %dma_start3A_83 = tpu.memref_slice %arg2[%run_scoped3A, %add3A_45, %dma_start3A_82] : memref<2x2560x128xi32, #tpu.memory_space<hbm>> -> memref<1x40x128xi32, #tpu.memory_space<hbm>>
        %dma_start3A_84 = tpu.memref_squeeze %dma_start3A_83 : memref<1x40x128xi32, #tpu.memory_space<hbm>> -> memref<40x128xi32, #tpu.memory_space<hbm>>
        %dma_start3A_85 = arith.constant 0 : i32
        %dma_start3A_86 = tpu.memref_slice %arg2[%run_scoped3A, %add3A_45, %dma_start3A_85] : memref<2x2560x128xi32, #tpu.memory_space<hbm>> -> memref<1x40x128xi32, #tpu.memory_space<hbm>>
        %dma_start3A_87 = tpu.memref_squeeze %dma_start3A_86 : memref<1x40x128xi32, #tpu.memory_space<hbm>> -> memref<40x128xi32, #tpu.memory_space<hbm>>
        tpu.enqueue_dma source(%dma_start3A_87 : memref<40x128xi32, #tpu.memory_space<hbm>>) target(%arg5 : memref<40x128xi32, #tpu.memory_space<vmem>>) target_semaphore(%run_scoped3A_81 : memref<!tpu.dma_semaphore, #tpu.memory_space<semaphore_mem>>)
        %dma_wait3A_88 = arith.constant 0 : i32
        %dma_wait3A_89 = tpu.memref_slice %arg2[%run_scoped3A, %add3A_45, %dma_wait3A_88] : memref<2x2560x128xi32, #tpu.memory_space<hbm>> -> memref<1x40x128xi32, #tpu.memory_space<hbm>>
        %dma_wait3A_90 = tpu.memref_squeeze %dma_wait3A_89 : memref<1x40x128xi32, #tpu.memory_space<hbm>> -> memref<40x128xi32, #tpu.memory_space<hbm>>
        %dma_wait3A_91 = arith.constant 0 : i32
        %dma_wait3A_92 = tpu.memref_slice %arg2[%run_scoped3A, %add3A_45, %dma_wait3A_91] : memref<2x2560x128xi32, #tpu.memory_space<hbm>> -> memref<1x40x128xi32, #tpu.memory_space<hbm>>
        %dma_wait3A_93 = tpu.memref_squeeze %dma_wait3A_92 : memref<1x40x128xi32, #tpu.memory_space<hbm>> -> memref<40x128xi32, #tpu.memory_space<hbm>>
        tpu.wait_dma2 semaphore(%run_scoped3A_81 : memref<!tpu.dma_semaphore, #tpu.memory_space<semaphore_mem>>) src(%dma_wait3A_93 : memref<40x128xi32, #tpu.memory_space<hbm>>) dst(%arg5 : memref<40x128xi32, #tpu.memory_space<vmem>>)
        tpu.yield
      }) : () -> ()
      %run_scoped3A_46 = arith.constant 1 : i32
      "tpu.region"() ({
        %run_scoped3A_81 = tpu.sem_alloc : memref<!tpu.dma_semaphore, #tpu.memory_space<semaphore_mem>>
        %dma_start3A_82 = arith.constant 0 : i32
        %dma_start3A_83 = tpu.memref_slice %arg2[%run_scoped3A_46, %add3A_45, %dma_start3A_82] : memref<2x2560x128xi32, #tpu.memory_space<hbm>> -> memref<1x40x128xi32, #tpu.memory_space<hbm>>
        %dma_start3A_84 = tpu.memref_squeeze %dma_start3A_83 : memref<1x40x128xi32, #tpu.memory_space<hbm>> -> memref<40x128xi32, #tpu.memory_space<hbm>>
        %dma_start3A_85 = arith.constant 0 : i32
        %dma_start3A_86 = tpu.memref_slice %arg2[%run_scoped3A_46, %add3A_45, %dma_start3A_85] : memref<2x2560x128xi32, #tpu.memory_space<hbm>> -> memref<1x40x128xi32, #tpu.memory_space<hbm>>
        %dma_start3A_87 = tpu.memref_squeeze %dma_start3A_86 : memref<1x40x128xi32, #tpu.memory_space<hbm>> -> memref<40x128xi32, #tpu.memory_space<hbm>>
        tpu.enqueue_dma source(%dma_start3A_87 : memref<40x128xi32, #tpu.memory_space<hbm>>) target(%arg6 : memref<40x128xi32, #tpu.memory_space<vmem>>) target_semaphore(%run_scoped3A_81 : memref<!tpu.dma_semaphore, #tpu.memory_space<semaphore_mem>>)
        %dma_wait3A_88 = arith.constant 0 : i32
        %dma_wait3A_89 = tpu.memref_slice %arg2[%run_scoped3A_46, %add3A_45, %dma_wait3A_88] : memref<2x2560x128xi32, #tpu.memory_space<hbm>> -> memref<1x40x128xi32, #tpu.memory_space<hbm>>
        %dma_wait3A_90 = tpu.memref_squeeze %dma_wait3A_89 : memref<1x40x128xi32, #tpu.memory_space<hbm>> -> memref<40x128xi32, #tpu.memory_space<hbm>>
        %dma_wait3A_91 = arith.constant 0 : i32
        %dma_wait3A_92 = tpu.memref_slice %arg2[%run_scoped3A_46, %add3A_45, %dma_wait3A_91] : memref<2x2560x128xi32, #tpu.memory_space<hbm>> -> memref<1x40x128xi32, #tpu.memory_space<hbm>>
        %dma_wait3A_93 = tpu.memref_squeeze %dma_wait3A_92 : memref<1x40x128xi32, #tpu.memory_space<hbm>> -> memref<40x128xi32, #tpu.memory_space<hbm>>
        tpu.wait_dma2 semaphore(%run_scoped3A_81 : memref<!tpu.dma_semaphore, #tpu.memory_space<semaphore_mem>>) src(%dma_wait3A_93 : memref<40x128xi32, #tpu.memory_space<hbm>>) dst(%arg6 : memref<40x128xi32, #tpu.memory_space<vmem>>)
        tpu.yield
      }) : () -> ()
      %dma_start3A = arith.constant 0 : i32
      %dma_start3A_47 = arith.constant 0 : i32
      %dma_start3A_48 = tpu.memref_slice %arg5[%dma_start3A, %dma_start3A_47] : memref<40x128xi32, #tpu.memory_space<vmem>> -> memref<1x128xi32, #tpu.memory_space<vmem>>
      %dma_start3A_49 = tpu.memref_squeeze %dma_start3A_48 : memref<1x128xi32, #tpu.memory_space<vmem>> -> memref<128xi32, #tpu.memory_space<vmem>>
      %dma_start3A_50 = arith.constant 0 : i32
      %dma_start3A_51 = arith.constant 0 : i32
      %dma_start3A_52 = tpu.memref_slice %arg3[%dma_start3A_50, %dma_start3A_51] : memref<10000x128xf32, #tpu.memory_space<hbm>> -> memref<10000x128xf32, #tpu.memory_space<hbm>>
      tpu.enqueue_indirect_dma source(%dma_start3A_52 : memref<10000x128xf32, #tpu.memory_space<hbm>>) target(%arg7 : memref<128x128xf32, #tpu.memory_space<vmem>>) offsets(%dma_start3A_49 : memref<128xi32, #tpu.memory_space<vmem>>) semaphore(%arg10 : memref<!tpu.dma_semaphore, #tpu.memory_space<semaphore_mem>>)
      %dma_start3A_53 = arith.constant 1 : i32
      %dma_start3A_54 = arith.constant 0 : i32
      %dma_start3A_55 = tpu.memref_slice %arg5[%dma_start3A_53, %dma_start3A_54] : memref<40x128xi32, #tpu.memory_space<vmem>> -> memref<1x128xi32, #tpu.memory_space<vmem>>
      %dma_start3A_56 = tpu.memref_squeeze %dma_start3A_55 : memref<1x128xi32, #tpu.memory_space<vmem>> -> memref<128xi32, #tpu.memory_space<vmem>>
      %dma_start3A_57 = arith.constant 0 : i32
      %dma_start3A_58 = arith.constant 0 : i32
      %dma_start3A_59 = tpu.memref_slice %arg3[%dma_start3A_57, %dma_start3A_58] : memref<10000x128xf32, #tpu.memory_space<hbm>> -> memref<10000x128xf32, #tpu.memory_space<hbm>>
      tpu.enqueue_indirect_dma source(%dma_start3A_59 : memref<10000x128xf32, #tpu.memory_space<hbm>>) target(%arg8 : memref<128x128xf32, #tpu.memory_space<vmem>>) offsets(%dma_start3A_56 : memref<128xi32, #tpu.memory_space<vmem>>) semaphore(%arg11 : memref<!tpu.dma_semaphore, #tpu.memory_space<semaphore_mem>>)
      %scan3A_60 = arith.constant 0 : i32
      %scan3A_61 = arith.constant 0 : i32
      %scan3A_62 = arith.constant 20 : i32
      %scan3A_63 = arith.addi %scan3A_61, %scan3A_62 : i32
      %scan3A_64 = arith.constant 1 : i32
      %scan3A_65 = scf.for %scan3A_81 = %scan3A_61 to %scan3A_63 step %scan3A_64 iter_args(%scan3A_82 = %scan3A_60) -> (i32)  : i32 {
        %mul3A_83 = arith.constant 2 : i32
        %mul3A_84 = arith.muli %mul3A_83, %scan3A_81 : i32
        %dma_wait3A_85 = arith.constant 0 : i32
        %dma_wait3A_86 = tpu.memref_slice %arg5[%mul3A_84, %dma_wait3A_85] : memref<40x128xi32, #tpu.memory_space<vmem>> -> memref<1x128xi32, #tpu.memory_space<vmem>>
        %dma_wait3A_87 = tpu.memref_squeeze %dma_wait3A_86 : memref<1x128xi32, #tpu.memory_space<vmem>> -> memref<128xi32, #tpu.memory_space<vmem>>
        %dma_wait3A_88 = arith.constant 0 : i32
        %dma_wait3A_89 = arith.constant 0 : i32
        %dma_wait3A_90 = tpu.memref_slice %arg3[%dma_wait3A_88, %dma_wait3A_89] : memref<10000x128xf32, #tpu.memory_space<hbm>> -> memref<10000x128xf32, #tpu.memory_space<hbm>>
        tpu.wait_indirect_dma semaphore(%arg10 : memref<!tpu.dma_semaphore, #tpu.memory_space<semaphore_mem>>) src(%dma_wait3A_90 : memref<10000x128xf32, #tpu.memory_space<hbm>>) dst(%arg7 : memref<128x128xf32, #tpu.memory_space<vmem>>)
        "tpu.region"() ({
          %run_scoped3A_121 = tpu.sem_alloc : memref<!tpu.dma_semaphore, #tpu.memory_space<semaphore_mem>>
          %dma_start3A_122 = arith.constant 0 : i32
          %dma_start3A_123 = tpu.memref_slice %arg6[%mul3A_84, %dma_start3A_122] : memref<40x128xi32, #tpu.memory_space<vmem>> -> memref<1x128xi32, #tpu.memory_space<vmem>>
          %dma_start3A_124 = tpu.memref_squeeze %dma_start3A_123 : memref<1x128xi32, #tpu.memory_space<vmem>> -> memref<128xi32, #tpu.memory_space<vmem>>
          %dma_start3A_125 = arith.constant 0 : i32
          %dma_start3A_126 = arith.constant 0 : i32
          %dma_start3A_127 = tpu.memref_slice %arg9[%dma_start3A_125, %dma_start3A_126] : memref<10240x128xf32, #tpu.memory_space<vmem_shared>> -> memref<10240x128xf32, #tpu.memory_space<vmem_shared>>
          tpu.enqueue_indirect_dma source(%arg7 : memref<128x128xf32, #tpu.memory_space<vmem>>) target(%dma_start3A_127 : memref<10240x128xf32, #tpu.memory_space<vmem_shared>>) offsets(%dma_start3A_124 : memref<128xi32, #tpu.memory_space<vmem>>) semaphore(%run_scoped3A_121 : memref<!tpu.dma_semaphore, #tpu.memory_space<semaphore_mem>>) {add = true}
          %dma_wait3A_128 = arith.constant 0 : i32
          %dma_wait3A_129 = tpu.memref_slice %arg6[%mul3A_84, %dma_wait3A_128] : memref<40x128xi32, #tpu.memory_space<vmem>> -> memref<1x128xi32, #tpu.memory_space<vmem>>
          %dma_wait3A_130 = tpu.memref_squeeze %dma_wait3A_129 : memref<1x128xi32, #tpu.memory_space<vmem>> -> memref<128xi32, #tpu.memory_space<vmem>>
          %dma_wait3A_131 = arith.constant 0 : i32
          %dma_wait3A_132 = arith.constant 0 : i32
          %dma_wait3A_133 = tpu.memref_slice %arg9[%dma_wait3A_131, %dma_wait3A_132] : memref<10240x128xf32, #tpu.memory_space<vmem_shared>> -> memref<10240x128xf32, #tpu.memory_space<vmem_shared>>
          tpu.wait_indirect_dma semaphore(%run_scoped3A_121 : memref<!tpu.dma_semaphore, #tpu.memory_space<semaphore_mem>>) src(%arg7 : memref<128x128xf32, #tpu.memory_space<vmem>>) dst(%dma_wait3A_133 : memref<10240x128xf32, #tpu.memory_space<vmem_shared>>)
          tpu.yield
        }) : () -> ()
        %add3A_91 = arith.constant 2 : i32
        %add3A_92 = arith.addi %mul3A_84, %add3A_91 : i32
        %min3A = arith.constant 39 : i32
        %min3A_93 = arith.minsi %add3A_92, %min3A : i32
        %dma_start3A_94 = arith.constant 0 : i32
        %dma_start3A_95 = tpu.memref_slice %arg5[%min3A_93, %dma_start3A_94] : memref<40x128xi32, #tpu.memory_space<vmem>> -> memref<1x128xi32, #tpu.memory_space<vmem>>
        %dma_start3A_96 = tpu.memref_squeeze %dma_start3A_95 : memref<1x128xi32, #tpu.memory_space<vmem>> -> memref<128xi32, #tpu.memory_space<vmem>>
        %dma_start3A_97 = arith.constant 0 : i32
        %dma_start3A_98 = arith.constant 0 : i32
        %dma_start3A_99 = tpu.memref_slice %arg3[%dma_start3A_97, %dma_start3A_98] : memref<10000x128xf32, #tpu.memory_space<hbm>> -> memref<10000x128xf32, #tpu.memory_space<hbm>>
        tpu.enqueue_indirect_dma source(%dma_start3A_99 : memref<10000x128xf32, #tpu.memory_space<hbm>>) target(%arg7 : memref<128x128xf32, #tpu.memory_space<vmem>>) offsets(%dma_start3A_96 : memref<128xi32, #tpu.memory_space<vmem>>) semaphore(%arg10 : memref<!tpu.dma_semaphore, #tpu.memory_space<semaphore_mem>>)
        %add3A_100 = arith.constant 1 : i32
        %add3A_101 = arith.addi %mul3A_84, %add3A_100 : i32
        %dma_wait3A_102 = arith.constant 0 : i32
        %dma_wait3A_103 = tpu.memref_slice %arg5[%add3A_101, %dma_wait3A_102] : memref<40x128xi32, #tpu.memory_space<vmem>> -> memref<1x128xi32, #tpu.memory_space<vmem>>
        %dma_wait3A_104 = tpu.memref_squeeze %dma_wait3A_103 : memref<1x128xi32, #tpu.memory_space<vmem>> -> memref<128xi32, #tpu.memory_space<vmem>>
        %dma_wait3A_105 = arith.constant 0 : i32
        %dma_wait3A_106 = arith.constant 0 : i32
        %dma_wait3A_107 = tpu.memref_slice %arg3[%dma_wait3A_105, %dma_wait3A_106] : memref<10000x128xf32, #tpu.memory_space<hbm>> -> memref<10000x128xf32, #tpu.memory_space<hbm>>
        tpu.wait_indirect_dma semaphore(%arg11 : memref<!tpu.dma_semaphore, #tpu.memory_space<semaphore_mem>>) src(%dma_wait3A_107 : memref<10000x128xf32, #tpu.memory_space<hbm>>) dst(%arg8 : memref<128x128xf32, #tpu.memory_space<vmem>>)
        %add3A_108 = arith.constant 1 : i32
        %add3A_109 = arith.addi %mul3A_84, %add3A_108 : i32
        "tpu.region"() ({
          %run_scoped3A_121 = tpu.sem_alloc : memref<!tpu.dma_semaphore, #tpu.memory_space<semaphore_mem>>
          %dma_start3A_122 = arith.constant 0 : i32
          %dma_start3A_123 = tpu.memref_slice %arg6[%add3A_109, %dma_start3A_122] : memref<40x128xi32, #tpu.memory_space<vmem>> -> memref<1x128xi32, #tpu.memory_space<vmem>>
          %dma_start3A_124 = tpu.memref_squeeze %dma_start3A_123 : memref<1x128xi32, #tpu.memory_space<vmem>> -> memref<128xi32, #tpu.memory_space<vmem>>
          %dma_start3A_125 = arith.constant 0 : i32
          %dma_start3A_126 = arith.constant 0 : i32
          %dma_start3A_127 = tpu.memref_slice %arg9[%dma_start3A_125, %dma_start3A_126] : memref<10240x128xf32, #tpu.memory_space<vmem_shared>> -> memref<10240x128xf32, #tpu.memory_space<vmem_shared>>
          tpu.enqueue_indirect_dma source(%arg8 : memref<128x128xf32, #tpu.memory_space<vmem>>) target(%dma_start3A_127 : memref<10240x128xf32, #tpu.memory_space<vmem_shared>>) offsets(%dma_start3A_124 : memref<128xi32, #tpu.memory_space<vmem>>) semaphore(%run_scoped3A_121 : memref<!tpu.dma_semaphore, #tpu.memory_space<semaphore_mem>>) {add = true}
          %dma_wait3A_128 = arith.constant 0 : i32
          %dma_wait3A_129 = tpu.memref_slice %arg6[%add3A_109, %dma_wait3A_128] : memref<40x128xi32, #tpu.memory_space<vmem>> -> memref<1x128xi32, #tpu.memory_space<vmem>>
          %dma_wait3A_130 = tpu.memref_squeeze %dma_wait3A_129 : memref<1x128xi32, #tpu.memory_space<vmem>> -> memref<128xi32, #tpu.memory_space<vmem>>
          %dma_wait3A_131 = arith.constant 0 : i32
          %dma_wait3A_132 = arith.constant 0 : i32
          %dma_wait3A_133 = tpu.memref_slice %arg9[%dma_wait3A_131, %dma_wait3A_132] : memref<10240x128xf32, #tpu.memory_space<vmem_shared>> -> memref<10240x128xf32, #tpu.memory_space<vmem_shared>>
          tpu.wait_indirect_dma semaphore(%run_scoped3A_121 : memref<!tpu.dma_semaphore, #tpu.memory_space<semaphore_mem>>) src(%arg8 : memref<128x128xf32, #tpu.memory_space<vmem>>) dst(%dma_wait3A_133 : memref<10240x128xf32, #tpu.memory_space<vmem_shared>>)
          tpu.yield
        }) : () -> ()
        %add3A_110 = arith.constant 3 : i32
        %add3A_111 = arith.addi %mul3A_84, %add3A_110 : i32
        %min3A_112 = arith.constant 39 : i32
        %min3A_113 = arith.minsi %add3A_111, %min3A_112 : i32
        %dma_start3A_114 = arith.constant 0 : i32
        %dma_start3A_115 = tpu.memref_slice %arg5[%min3A_113, %dma_start3A_114] : memref<40x128xi32, #tpu.memory_space<vmem>> -> memref<1x128xi32, #tpu.memory_space<vmem>>
        %dma_start3A_116 = tpu.memref_squeeze %dma_start3A_115 : memref<1x128xi32, #tpu.memory_space<vmem>> -> memref<128xi32, #tpu.memory_space<vmem>>
        %dma_start3A_117 = arith.constant 0 : i32
        %dma_start3A_118 = arith.constant 0 : i32
        %dma_start3A_119 = tpu.memref_slice %arg3[%dma_start3A_117, %dma_start3A_118] : memref<10000x128xf32, #tpu.memory_space<hbm>> -> memref<10000x128xf32, #tpu.memory_space<hbm>>
        tpu.enqueue_indirect_dma source(%dma_start3A_119 : memref<10000x128xf32, #tpu.memory_space<hbm>>) target(%arg8 : memref<128x128xf32, #tpu.memory_space<vmem>>) offsets(%dma_start3A_116 : memref<128xi32, #tpu.memory_space<vmem>>) semaphore(%arg11 : memref<!tpu.dma_semaphore, #tpu.memory_space<semaphore_mem>>)
        %scan3A_120 = arith.constant 0 : i32
        scf.yield %scan3A_120 : i32
      }
      %scan3A_66 = arith.constant 20 : i32
      %dma_wait3A = arith.constant 39 : i32
      %dma_wait3A_67 = arith.constant 0 : i32
      %dma_wait3A_68 = tpu.memref_slice %arg5[%dma_wait3A, %dma_wait3A_67] : memref<40x128xi32, #tpu.memory_space<vmem>> -> memref<1x128xi32, #tpu.memory_space<vmem>>
      %dma_wait3A_69 = tpu.memref_squeeze %dma_wait3A_68 : memref<1x128xi32, #tpu.memory_space<vmem>> -> memref<128xi32, #tpu.memory_space<vmem>>
      %dma_wait3A_70 = arith.constant 0 : i32
      %dma_wait3A_71 = arith.constant 0 : i32
      %dma_wait3A_72 = tpu.memref_slice %arg3[%dma_wait3A_70, %dma_wait3A_71] : memref<10000x128xf32, #tpu.memory_space<hbm>> -> memref<10000x128xf32, #tpu.memory_space<hbm>>
      tpu.wait_indirect_dma semaphore(%arg10 : memref<!tpu.dma_semaphore, #tpu.memory_space<semaphore_mem>>) src(%dma_wait3A_72 : memref<10000x128xf32, #tpu.memory_space<hbm>>) dst(%arg7 : memref<128x128xf32, #tpu.memory_space<vmem>>)
      %dma_wait3A_73 = arith.constant 39 : i32
      %dma_wait3A_74 = arith.constant 0 : i32
      %dma_wait3A_75 = tpu.memref_slice %arg5[%dma_wait3A_73, %dma_wait3A_74] : memref<40x128xi32, #tpu.memory_space<vmem>> -> memref<1x128xi32, #tpu.memory_space<vmem>>
      %dma_wait3A_76 = tpu.memref_squeeze %dma_wait3A_75 : memref<1x128xi32, #tpu.memory_space<vmem>> -> memref<128xi32, #tpu.memory_space<vmem>>
      %dma_wait3A_77 = arith.constant 0 : i32
      %dma_wait3A_78 = arith.constant 0 : i32
      %dma_wait3A_79 = tpu.memref_slice %arg3[%dma_wait3A_77, %dma_wait3A_78] : memref<10000x128xf32, #tpu.memory_space<hbm>> -> memref<10000x128xf32, #tpu.memory_space<hbm>>
      tpu.wait_indirect_dma semaphore(%arg11 : memref<!tpu.dma_semaphore, #tpu.memory_space<semaphore_mem>>) src(%dma_wait3A_79 : memref<10000x128xf32, #tpu.memory_space<hbm>>) dst(%arg8 : memref<128x128xf32, #tpu.memory_space<vmem>>)
      %scan3A_80 = arith.constant 0 : i32
      scf.yield %scan3A_80 : i32
    }
    %scan3A_33 = arith.constant 2 : i32
    %barrier3A_34 = arith.constant 0 : index
    tpu.barrier barrier_id(%barrier3A_34)
    %mul3A_35 = arith.constant 640 : i32
    %mul3A_36 = arith.muli %arg1, %mul3A_35 : i32
    %mul3A_37 = arith.constant 640 : i32
    %mul3A_38 = arith.muli %arg1, %mul3A_37 : i32
    "tpu.region"() ({
      %run_scoped3A = tpu.sem_alloc : memref<!tpu.dma_semaphore, #tpu.memory_space<semaphore_mem>>
      %dma_start3A = arith.constant 0 : i32
      %dma_start3A_39 = tpu.memref_slice %arg4[%arg0, %mul3A_38, %dma_start3A] : memref<2x10240x128xf32, #tpu.memory_space<hbm>> -> memref<1x640x128xf32, #tpu.memory_space<hbm>>
      %dma_start3A_40 = tpu.memref_squeeze %dma_start3A_39 : memref<1x640x128xf32, #tpu.memory_space<hbm>> -> memref<640x128xf32, #tpu.memory_space<hbm>>
      %dma_start3A_41 = arith.constant 0 : i32
      %dma_start3A_42 = tpu.memref_slice %arg9[%mul3A_36, %dma_start3A_41] : memref<10240x128xf32, #tpu.memory_space<vmem_shared>> -> memref<640x128xf32, #tpu.memory_space<vmem_shared>>
      tpu.enqueue_dma source(%dma_start3A_42 : memref<640x128xf32, #tpu.memory_space<vmem_shared>>) target(%dma_start3A_40 : memref<640x128xf32, #tpu.memory_space<hbm>>) target_semaphore(%run_scoped3A : memref<!tpu.dma_semaphore, #tpu.memory_space<semaphore_mem>>)
      %dma_wait3A = arith.constant 0 : i32
      %dma_wait3A_43 = tpu.memref_slice %arg4[%arg0, %mul3A_38, %dma_wait3A] : memref<2x10240x128xf32, #tpu.memory_space<hbm>> -> memref<1x640x128xf32, #tpu.memory_space<hbm>>
      %dma_wait3A_44 = tpu.memref_squeeze %dma_wait3A_43 : memref<1x640x128xf32, #tpu.memory_space<hbm>> -> memref<640x128xf32, #tpu.memory_space<hbm>>
      %dma_wait3A_45 = arith.constant 0 : i32
      %dma_wait3A_46 = tpu.memref_slice %arg9[%mul3A_36, %dma_wait3A_45] : memref<10240x128xf32, #tpu.memory_space<vmem_shared>> -> memref<640x128xf32, #tpu.memory_space<vmem_shared>>
      tpu.wait_dma2 semaphore(%run_scoped3A : memref<!tpu.dma_semaphore, #tpu.memory_space<semaphore_mem>>) src(%dma_wait3A_46 : memref<640x128xf32, #tpu.memory_space<vmem_shared>>) dst(%dma_wait3A_44 : memref<640x128xf32, #tpu.memory_space<hbm>>)
      tpu.yield
    }) : () -> ()
    return
  }
}

#map = affine_map<(d0, d1) -> (0, 0, 0)>
#map1 = affine_map<(d0, d1) -> (0, 0)>
module attributes {stable_mosaic.version = 14 : i64} {
  func.func @k(%arg0: i32, %arg1: i32, %arg2: memref<2x2560x128xi32, #tpu.memory_space<hbm>>, %arg3: memref<10000x128xf32, #tpu.memory_space<hbm>>, %arg4: memref<2x10240x128xf32, #tpu.memory_space<hbm>>, %arg5: memref<40x128xi32, #tpu.memory_space<vmem>>, %arg6: memref<40x128xi32, #tpu.memory_space<vmem>>, %arg7: memref<128x128xf32, #tpu.memory_space<vmem>>, %arg8: memref<128x128xf32, #tpu.memory_space<vmem>>, %arg9: memref<10240x128xf32, #tpu.memory_space<vmem_shared>>, %arg10: memref<!tpu.dma_semaphore, #tpu.memory_space<semaphore_mem>>, %arg11: memref<!tpu.dma_semaphore, #tpu.memory_space<semaphore_mem>>) attributes {dimension_semantics = [#tpu.dimension_semantics<core_parallel>, #tpu.dimension_semantics<subcore_parallel>], iteration_bounds = array<i64: 2, 16>, scalar_prefetch = 0 : i64, scratch_operands = 7 : i64, tpu.core_type = #tpu.core_type<sc_vector_subcore>, window_params = [{transform_indices = #map}, {transform_indices = #map1}, {transform_indices = #map}]} {
    %mul3A = arith.constant 16 : i32
    %mul3A_0 = arith.muli %arg0, %mul3A : i32
    %add3A = arith.addi %mul3A_0, %arg1 : i32
    %scan3A = arith.constant 0 : i32
    %scan3A_1 = arith.constant 0 : i32
    %scan3A_2 = arith.constant 128 : i32
    %scan3A_3 = arith.addi %scan3A_1, %scan3A_2 : i32
    %scan3A_4 = arith.constant 1 : i32
    %scan3A_5 = scf.for %scan3A_39 = %scan3A_1 to %scan3A_3 step %scan3A_4 iter_args(%scan3A_40 = %scan3A) -> (i32)  : i32 {
      %broadcast_in_dim3A = arith.constant 0.000000e+00 : f32
      %broadcast_in_dim3A_41 = vector.broadcast %broadcast_in_dim3A : f32 to vector<16xf32>
      %swap3A = arith.index_cast %scan3A_39 : i32 to index
      %swap3A_42 = arith.constant 0 : index
      %swap3A_43 = tpu.vector_load %arg7[%swap3A, %swap3A_42] {strides = array<i32>} : memref<128x128xf32, #tpu.memory_space<vmem>>, vector<1x16xf32>,
      %swap3A_44 = vector.shape_cast %swap3A_43 : vector<1x16xf32> to vector<16xf32>
      %swap3A_45 = vector.shape_cast %broadcast_in_dim3A_41 : vector<16xf32> to vector<1x16xf32>
      tpu.vector_store %arg7[%swap3A, %swap3A_42], %swap3A_45 {strides = array<i32>} : memref<128x128xf32, #tpu.memory_space<vmem>>, vector<1x16xf32>,
      %broadcast_in_dim3A_46 = arith.constant 0.000000e+00 : f32
      %broadcast_in_dim3A_47 = vector.broadcast %broadcast_in_dim3A_46 : f32 to vector<16xf32>
      %swap3A_48 = arith.index_cast %scan3A_39 : i32 to index
      %swap3A_49 = arith.constant 16 : index
      %swap3A_50 = tpu.vector_load %arg7[%swap3A_48, %swap3A_49] {strides = array<i32>} : memref<128x128xf32, #tpu.memory_space<vmem>>, vector<1x16xf32>,
      %swap3A_51 = vector.shape_cast %swap3A_50 : vector<1x16xf32> to vector<16xf32>
      %swap3A_52 = vector.shape_cast %broadcast_in_dim3A_47 : vector<16xf32> to vector<1x16xf32>
      tpu.vector_store %arg7[%swap3A_48, %swap3A_49], %swap3A_52 {strides = array<i32>} : memref<128x128xf32, #tpu.memory_space<vmem>>, vector<1x16xf32>,
      %broadcast_in_dim3A_53 = arith.constant 0.000000e+00 : f32
      %broadcast_in_dim3A_54 = vector.broadcast %broadcast_in_dim3A_53 : f32 to vector<16xf32>
      %swap3A_55 = arith.index_cast %scan3A_39 : i32 to index
      %swap3A_56 = arith.constant 32 : index
      %swap3A_57 = tpu.vector_load %arg7[%swap3A_55, %swap3A_56] {strides = array<i32>} : memref<128x128xf32, #tpu.memory_space<vmem>>, vector<1x16xf32>,
      %swap3A_58 = vector.shape_cast %swap3A_57 : vector<1x16xf32> to vector<16xf32>
      %swap3A_59 = vector.shape_cast %broadcast_in_dim3A_54 : vector<16xf32> to vector<1x16xf32>
      tpu.vector_store %arg7[%swap3A_55, %swap3A_56], %swap3A_59 {strides = array<i32>} : memref<128x128xf32, #tpu.memory_space<vmem>>, vector<1x16xf32>,
      %broadcast_in_dim3A_60 = arith.constant 0.000000e+00 : f32
      %broadcast_in_dim3A_61 = vector.broadcast %broadcast_in_dim3A_60 : f32 to vector<16xf32>
      %swap3A_62 = arith.index_cast %scan3A_39 : i32 to index
      %swap3A_63 = arith.constant 48 : index
      %swap3A_64 = tpu.vector_load %arg7[%swap3A_62, %swap3A_63] {strides = array<i32>} : memref<128x128xf32, #tpu.memory_space<vmem>>, vector<1x16xf32>,
      %swap3A_65 = vector.shape_cast %swap3A_64 : vector<1x16xf32> to vector<16xf32>
      %swap3A_66 = vector.shape_cast %broadcast_in_dim3A_61 : vector<16xf32> to vector<1x16xf32>
      tpu.vector_store %arg7[%swap3A_62, %swap3A_63], %swap3A_66 {strides = array<i32>} : memref<128x128xf32, #tpu.memory_space<vmem>>, vector<1x16xf32>,
      %broadcast_in_dim3A_67 = arith.constant 0.000000e+00 : f32
      %broadcast_in_dim3A_68 = vector.broadcast %broadcast_in_dim3A_67 : f32 to vector<16xf32>
      %swap3A_69 = arith.index_cast %scan3A_39 : i32 to index
      %swap3A_70 = arith.constant 64 : index
      %swap3A_71 = tpu.vector_load %arg7[%swap3A_69, %swap3A_70] {strides = array<i32>} : memref<128x128xf32, #tpu.memory_space<vmem>>, vector<1x16xf32>,
      %swap3A_72 = vector.shape_cast %swap3A_71 : vector<1x16xf32> to vector<16xf32>
      %swap3A_73 = vector.shape_cast %broadcast_in_dim3A_68 : vector<16xf32> to vector<1x16xf32>
      tpu.vector_store %arg7[%swap3A_69, %swap3A_70], %swap3A_73 {strides = array<i32>} : memref<128x128xf32, #tpu.memory_space<vmem>>, vector<1x16xf32>,
      %broadcast_in_dim3A_74 = arith.constant 0.000000e+00 : f32
      %broadcast_in_dim3A_75 = vector.broadcast %broadcast_in_dim3A_74 : f32 to vector<16xf32>
      %swap3A_76 = arith.index_cast %scan3A_39 : i32 to index
      %swap3A_77 = arith.constant 80 : index
      %swap3A_78 = tpu.vector_load %arg7[%swap3A_76, %swap3A_77] {strides = array<i32>} : memref<128x128xf32, #tpu.memory_space<vmem>>, vector<1x16xf32>,
      %swap3A_79 = vector.shape_cast %swap3A_78 : vector<1x16xf32> to vector<16xf32>
      %swap3A_80 = vector.shape_cast %broadcast_in_dim3A_75 : vector<16xf32> to vector<1x16xf32>
      tpu.vector_store %arg7[%swap3A_76, %swap3A_77], %swap3A_80 {strides = array<i32>} : memref<128x128xf32, #tpu.memory_space<vmem>>, vector<1x16xf32>,
      %broadcast_in_dim3A_81 = arith.constant 0.000000e+00 : f32
      %broadcast_in_dim3A_82 = vector.broadcast %broadcast_in_dim3A_81 : f32 to vector<16xf32>
      %swap3A_83 = arith.index_cast %scan3A_39 : i32 to index
      %swap3A_84 = arith.constant 96 : index
      %swap3A_85 = tpu.vector_load %arg7[%swap3A_83, %swap3A_84] {strides = array<i32>} : memref<128x128xf32, #tpu.memory_space<vmem>>, vector<1x16xf32>,
      %swap3A_86 = vector.shape_cast %swap3A_85 : vector<1x16xf32> to vector<16xf32>
      %swap3A_87 = vector.shape_cast %broadcast_in_dim3A_82 : vector<16xf32> to vector<1x16xf32>
      tpu.vector_store %arg7[%swap3A_83, %swap3A_84], %swap3A_87 {strides = array<i32>} : memref<128x128xf32, #tpu.memory_space<vmem>>, vector<1x16xf32>,
      %broadcast_in_dim3A_88 = arith.constant 0.000000e+00 : f32
      %broadcast_in_dim3A_89 = vector.broadcast %broadcast_in_dim3A_88 : f32 to vector<16xf32>
      %swap3A_90 = arith.index_cast %scan3A_39 : i32 to index
      %swap3A_91 = arith.constant 112 : index
      %swap3A_92 = tpu.vector_load %arg7[%swap3A_90, %swap3A_91] {strides = array<i32>} : memref<128x128xf32, #tpu.memory_space<vmem>>, vector<1x16xf32>,
      %swap3A_93 = vector.shape_cast %swap3A_92 : vector<1x16xf32> to vector<16xf32>
      %swap3A_94 = vector.shape_cast %broadcast_in_dim3A_89 : vector<16xf32> to vector<1x16xf32>
      tpu.vector_store %arg7[%swap3A_90, %swap3A_91], %swap3A_94 {strides = array<i32>} : memref<128x128xf32, #tpu.memory_space<vmem>>, vector<1x16xf32>,
      %scan3A_95 = arith.constant 0 : i32
      scf.yield %scan3A_95 : i32
    }
    %scan3A_6 = arith.constant 128 : i32
    %mul3A_7 = arith.constant 640 : i32
    %mul3A_8 = arith.muli %arg1, %mul3A_7 : i32
    %add3A_9 = arith.constant 0 : i32
    %add3A_10 = arith.addi %mul3A_8, %add3A_9 : i32
    "tpu.region"() ({
      %run_scoped3A = tpu.sem_alloc : memref<!tpu.dma_semaphore, #tpu.memory_space<semaphore_mem>>
      %dma_start3A = arith.constant 0 : i32
      %dma_start3A_39 = tpu.memref_slice %arg9[%add3A_10, %dma_start3A] : memref<10240x128xf32, #tpu.memory_space<vmem_shared>> -> memref<128x128xf32, #tpu.memory_space<vmem_shared>>
      %dma_start3A_40 = arith.constant 0 : i32
      %dma_start3A_41 = tpu.memref_slice %arg9[%add3A_10, %dma_start3A_40] : memref<10240x128xf32, #tpu.memory_space<vmem_shared>> -> memref<128x128xf32, #tpu.memory_space<vmem_shared>>
      tpu.enqueue_dma source(%arg7 : memref<128x128xf32, #tpu.memory_space<vmem>>) target(%dma_start3A_41 : memref<128x128xf32, #tpu.memory_space<vmem_shared>>) target_semaphore(%run_scoped3A : memref<!tpu.dma_semaphore, #tpu.memory_space<semaphore_mem>>)
      %dma_wait3A = arith.constant 0 : i32
      %dma_wait3A_42 = tpu.memref_slice %arg9[%add3A_10, %dma_wait3A] : memref<10240x128xf32, #tpu.memory_space<vmem_shared>> -> memref<128x128xf32, #tpu.memory_space<vmem_shared>>
      %dma_wait3A_43 = arith.constant 0 : i32
      %dma_wait3A_44 = tpu.memref_slice %arg9[%add3A_10, %dma_wait3A_43] : memref<10240x128xf32, #tpu.memory_space<vmem_shared>> -> memref<128x128xf32, #tpu.memory_space<vmem_shared>>
      tpu.wait_dma2 semaphore(%run_scoped3A : memref<!tpu.dma_semaphore, #tpu.memory_space<semaphore_mem>>) src(%arg7 : memref<128x128xf32, #tpu.memory_space<vmem>>) dst(%dma_wait3A_44 : memref<128x128xf32, #tpu.memory_space<vmem_shared>>)
      tpu.yield
    }) : () -> ()
    %mul3A_11 = arith.constant 640 : i32
    %mul3A_12 = arith.muli %arg1, %mul3A_11 : i32
    %add3A_13 = arith.constant 128 : i32
    %add3A_14 = arith.addi %mul3A_12, %add3A_13 : i32
    "tpu.region"() ({
      %run_scoped3A = tpu.sem_alloc : memref<!tpu.dma_semaphore, #tpu.memory_space<semaphore_mem>>
      %dma_start3A = arith.constant 0 : i32
      %dma_start3A_39 = tpu.memref_slice %arg9[%add3A_14, %dma_start3A] : memref<10240x128xf32, #tpu.memory_space<vmem_shared>> -> memref<128x128xf32, #tpu.memory_space<vmem_shared>>
      %dma_start3A_40 = arith.constant 0 : i32
      %dma_start3A_41 = tpu.memref_slice %arg9[%add3A_14, %dma_start3A_40] : memref<10240x128xf32, #tpu.memory_space<vmem_shared>> -> memref<128x128xf32, #tpu.memory_space<vmem_shared>>
      tpu.enqueue_dma source(%arg7 : memref<128x128xf32, #tpu.memory_space<vmem>>) target(%dma_start3A_41 : memref<128x128xf32, #tpu.memory_space<vmem_shared>>) target_semaphore(%run_scoped3A : memref<!tpu.dma_semaphore, #tpu.memory_space<semaphore_mem>>)
      %dma_wait3A = arith.constant 0 : i32
      %dma_wait3A_42 = tpu.memref_slice %arg9[%add3A_14, %dma_wait3A] : memref<10240x128xf32, #tpu.memory_space<vmem_shared>> -> memref<128x128xf32, #tpu.memory_space<vmem_shared>>
      %dma_wait3A_43 = arith.constant 0 : i32
      %dma_wait3A_44 = tpu.memref_slice %arg9[%add3A_14, %dma_wait3A_43] : memref<10240x128xf32, #tpu.memory_space<vmem_shared>> -> memref<128x128xf32, #tpu.memory_space<vmem_shared>>
      tpu.wait_dma2 semaphore(%run_scoped3A : memref<!tpu.dma_semaphore, #tpu.memory_space<semaphore_mem>>) src(%arg7 : memref<128x128xf32, #tpu.memory_space<vmem>>) dst(%dma_wait3A_44 : memref<128x128xf32, #tpu.memory_space<vmem_shared>>)
      tpu.yield
    }) : () -> ()
    %mul3A_15 = arith.constant 640 : i32
    %mul3A_16 = arith.muli %arg1, %mul3A_15 : i32
    %add3A_17 = arith.constant 256 : i32
    %add3A_18 = arith.addi %mul3A_16, %add3A_17 : i32
    "tpu.region"() ({
      %run_scoped3A = tpu.sem_alloc : memref<!tpu.dma_semaphore, #tpu.memory_space<semaphore_mem>>
      %dma_start3A = arith.constant 0 : i32
      %dma_start3A_39 = tpu.memref_slice %arg9[%add3A_18, %dma_start3A] : memref<10240x128xf32, #tpu.memory_space<vmem_shared>> -> memref<128x128xf32, #tpu.memory_space<vmem_shared>>
      %dma_start3A_40 = arith.constant 0 : i32
      %dma_start3A_41 = tpu.memref_slice %arg9[%add3A_18, %dma_start3A_40] : memref<10240x128xf32, #tpu.memory_space<vmem_shared>> -> memref<128x128xf32, #tpu.memory_space<vmem_shared>>
      tpu.enqueue_dma source(%arg7 : memref<128x128xf32, #tpu.memory_space<vmem>>) target(%dma_start3A_41 : memref<128x128xf32, #tpu.memory_space<vmem_shared>>) target_semaphore(%run_scoped3A : memref<!tpu.dma_semaphore, #tpu.memory_space<semaphore_mem>>)
      %dma_wait3A = arith.constant 0 : i32
      %dma_wait3A_42 = tpu.memref_slice %arg9[%add3A_18, %dma_wait3A] : memref<10240x128xf32, #tpu.memory_space<vmem_shared>> -> memref<128x128xf32, #tpu.memory_space<vmem_shared>>
      %dma_wait3A_43 = arith.constant 0 : i32
      %dma_wait3A_44 = tpu.memref_slice %arg9[%add3A_18, %dma_wait3A_43] : memref<10240x128xf32, #tpu.memory_space<vmem_shared>> -> memref<128x128xf32, #tpu.memory_space<vmem_shared>>
      tpu.wait_dma2 semaphore(%run_scoped3A : memref<!tpu.dma_semaphore, #tpu.memory_space<semaphore_mem>>) src(%arg7 : memref<128x128xf32, #tpu.memory_space<vmem>>) dst(%dma_wait3A_44 : memref<128x128xf32, #tpu.memory_space<vmem_shared>>)
      tpu.yield
    }) : () -> ()
    %mul3A_19 = arith.constant 640 : i32
    %mul3A_20 = arith.muli %arg1, %mul3A_19 : i32
    %add3A_21 = arith.constant 384 : i32
    %add3A_22 = arith.addi %mul3A_20, %add3A_21 : i32
    "tpu.region"() ({
      %run_scoped3A = tpu.sem_alloc : memref<!tpu.dma_semaphore, #tpu.memory_space<semaphore_mem>>
      %dma_start3A = arith.constant 0 : i32
      %dma_start3A_39 = tpu.memref_slice %arg9[%add3A_22, %dma_start3A] : memref<10240x128xf32, #tpu.memory_space<vmem_shared>> -> memref<128x128xf32, #tpu.memory_space<vmem_shared>>
      %dma_start3A_40 = arith.constant 0 : i32
      %dma_start3A_41 = tpu.memref_slice %arg9[%add3A_22, %dma_start3A_40] : memref<10240x128xf32, #tpu.memory_space<vmem_shared>> -> memref<128x128xf32, #tpu.memory_space<vmem_shared>>
      tpu.enqueue_dma source(%arg7 : memref<128x128xf32, #tpu.memory_space<vmem>>) target(%dma_start3A_41 : memref<128x128xf32, #tpu.memory_space<vmem_shared>>) target_semaphore(%run_scoped3A : memref<!tpu.dma_semaphore, #tpu.memory_space<semaphore_mem>>)
      %dma_wait3A = arith.constant 0 : i32
      %dma_wait3A_42 = tpu.memref_slice %arg9[%add3A_22, %dma_wait3A] : memref<10240x128xf32, #tpu.memory_space<vmem_shared>> -> memref<128x128xf32, #tpu.memory_space<vmem_shared>>
      %dma_wait3A_43 = arith.constant 0 : i32
      %dma_wait3A_44 = tpu.memref_slice %arg9[%add3A_22, %dma_wait3A_43] : memref<10240x128xf32, #tpu.memory_space<vmem_shared>> -> memref<128x128xf32, #tpu.memory_space<vmem_shared>>
      tpu.wait_dma2 semaphore(%run_scoped3A : memref<!tpu.dma_semaphore, #tpu.memory_space<semaphore_mem>>) src(%arg7 : memref<128x128xf32, #tpu.memory_space<vmem>>) dst(%dma_wait3A_44 : memref<128x128xf32, #tpu.memory_space<vmem_shared>>)
      tpu.yield
    }) : () -> ()
    %mul3A_23 = arith.constant 640 : i32
    %mul3A_24 = arith.muli %arg1, %mul3A_23 : i32
    %add3A_25 = arith.constant 512 : i32
    %add3A_26 = arith.addi %mul3A_24, %add3A_25 : i32
    "tpu.region"() ({
      %run_scoped3A = tpu.sem_alloc : memref<!tpu.dma_semaphore, #tpu.memory_space<semaphore_mem>>
      %dma_start3A = arith.constant 0 : i32
      %dma_start3A_39 = tpu.memref_slice %arg9[%add3A_26, %dma_start3A] : memref<10240x128xf32, #tpu.memory_space<vmem_shared>> -> memref<128x128xf32, #tpu.memory_space<vmem_shared>>
      %dma_start3A_40 = arith.constant 0 : i32
      %dma_start3A_41 = tpu.memref_slice %arg9[%add3A_26, %dma_start3A_40] : memref<10240x128xf32, #tpu.memory_space<vmem_shared>> -> memref<128x128xf32, #tpu.memory_space<vmem_shared>>
      tpu.enqueue_dma source(%arg7 : memref<128x128xf32, #tpu.memory_space<vmem>>) target(%dma_start3A_41 : memref<128x128xf32, #tpu.memory_space<vmem_shared>>) target_semaphore(%run_scoped3A : memref<!tpu.dma_semaphore, #tpu.memory_space<semaphore_mem>>)
      %dma_wait3A = arith.constant 0 : i32
      %dma_wait3A_42 = tpu.memref_slice %arg9[%add3A_26, %dma_wait3A] : memref<10240x128xf32, #tpu.memory_space<vmem_shared>> -> memref<128x128xf32, #tpu.memory_space<vmem_shared>>
      %dma_wait3A_43 = arith.constant 0 : i32
      %dma_wait3A_44 = tpu.memref_slice %arg9[%add3A_26, %dma_wait3A_43] : memref<10240x128xf32, #tpu.memory_space<vmem_shared>> -> memref<128x128xf32, #tpu.memory_space<vmem_shared>>
      tpu.wait_dma2 semaphore(%run_scoped3A : memref<!tpu.dma_semaphore, #tpu.memory_space<semaphore_mem>>) src(%arg7 : memref<128x128xf32, #tpu.memory_space<vmem>>) dst(%dma_wait3A_44 : memref<128x128xf32, #tpu.memory_space<vmem_shared>>)
      tpu.yield
    }) : () -> ()
    %barrier3A = arith.constant 0 : index
    tpu.barrier barrier_id(%barrier3A)
    %scan3A_27 = arith.constant 0 : i32
    %scan3A_28 = arith.constant 0 : i32
    %scan3A_29 = arith.constant 2 : i32
    %scan3A_30 = arith.addi %scan3A_28, %scan3A_29 : i32
    %scan3A_31 = arith.constant 1 : i32
    %scan3A_32 = scf.for %scan3A_39 = %scan3A_28 to %scan3A_30 step %scan3A_31 iter_args(%scan3A_40 = %scan3A_27) -> (i32)  : i32 {
      %mul3A_41 = arith.constant 80 : i32
      %mul3A_42 = arith.muli %add3A, %mul3A_41 : i32
      %mul3A_43 = arith.constant 40 : i32
      %mul3A_44 = arith.muli %scan3A_39, %mul3A_43 : i32
      %add3A_45 = arith.addi %mul3A_42, %mul3A_44 : i32
      %run_scoped3A = arith.constant 0 : i32
      "tpu.region"() ({
        %run_scoped3A_81 = tpu.sem_alloc : memref<!tpu.dma_semaphore, #tpu.memory_space<semaphore_mem>>
        %dma_start3A_82 = arith.constant 0 : i32
        %dma_start3A_83 = tpu.memref_slice %arg2[%run_scoped3A, %add3A_45, %dma_start3A_82] : memref<2x2560x128xi32, #tpu.memory_space<hbm>> -> memref<1x40x128xi32, #tpu.memory_space<hbm>>
        %dma_start3A_84 = tpu.memref_squeeze %dma_start3A_83 : memref<1x40x128xi32, #tpu.memory_space<hbm>> -> memref<40x128xi32, #tpu.memory_space<hbm>>
        %dma_start3A_85 = arith.constant 0 : i32
        %dma_start3A_86 = tpu.memref_slice %arg2[%run_scoped3A, %add3A_45, %dma_start3A_85] : memref<2x2560x128xi32, #tpu.memory_space<hbm>> -> memref<1x40x128xi32, #tpu.memory_space<hbm>>
        %dma_start3A_87 = tpu.memref_squeeze %dma_start3A_86 : memref<1x40x128xi32, #tpu.memory_space<hbm>> -> memref<40x128xi32, #tpu.memory_space<hbm>>
        tpu.enqueue_dma source(%dma_start3A_87 : memref<40x128xi32, #tpu.memory_space<hbm>>) target(%arg5 : memref<40x128xi32, #tpu.memory_space<vmem>>) target_semaphore(%run_scoped3A_81 : memref<!tpu.dma_semaphore, #tpu.memory_space<semaphore_mem>>)
        %dma_wait3A_88 = arith.constant 0 : i32
        %dma_wait3A_89 = tpu.memref_slice %arg2[%run_scoped3A, %add3A_45, %dma_wait3A_88] : memref<2x2560x128xi32, #tpu.memory_space<hbm>> -> memref<1x40x128xi32, #tpu.memory_space<hbm>>
        %dma_wait3A_90 = tpu.memref_squeeze %dma_wait3A_89 : memref<1x40x128xi32, #tpu.memory_space<hbm>> -> memref<40x128xi32, #tpu.memory_space<hbm>>
        %dma_wait3A_91 = arith.constant 0 : i32
        %dma_wait3A_92 = tpu.memref_slice %arg2[%run_scoped3A, %add3A_45, %dma_wait3A_91] : memref<2x2560x128xi32, #tpu.memory_space<hbm>> -> memref<1x40x128xi32, #tpu.memory_space<hbm>>
        %dma_wait3A_93 = tpu.memref_squeeze %dma_wait3A_92 : memref<1x40x128xi32, #tpu.memory_space<hbm>> -> memref<40x128xi32, #tpu.memory_space<hbm>>
        tpu.wait_dma2 semaphore(%run_scoped3A_81 : memref<!tpu.dma_semaphore, #tpu.memory_space<semaphore_mem>>) src(%dma_wait3A_93 : memref<40x128xi32, #tpu.memory_space<hbm>>) dst(%arg5 : memref<40x128xi32, #tpu.memory_space<vmem>>)
        tpu.yield
      }) : () -> ()
      %run_scoped3A_46 = arith.constant 1 : i32
      "tpu.region"() ({
        %run_scoped3A_81 = tpu.sem_alloc : memref<!tpu.dma_semaphore, #tpu.memory_space<semaphore_mem>>
        %dma_start3A_82 = arith.constant 0 : i32
        %dma_start3A_83 = tpu.memref_slice %arg2[%run_scoped3A_46, %add3A_45, %dma_start3A_82] : memref<2x2560x128xi32, #tpu.memory_space<hbm>> -> memref<1x40x128xi32, #tpu.memory_space<hbm>>
        %dma_start3A_84 = tpu.memref_squeeze %dma_start3A_83 : memref<1x40x128xi32, #tpu.memory_space<hbm>> -> memref<40x128xi32, #tpu.memory_space<hbm>>
        %dma_start3A_85 = arith.constant 0 : i32
        %dma_start3A_86 = tpu.memref_slice %arg2[%run_scoped3A_46, %add3A_45, %dma_start3A_85] : memref<2x2560x128xi32, #tpu.memory_space<hbm>> -> memref<1x40x128xi32, #tpu.memory_space<hbm>>
        %dma_start3A_87 = tpu.memref_squeeze %dma_start3A_86 : memref<1x40x128xi32, #tpu.memory_space<hbm>> -> memref<40x128xi32, #tpu.memory_space<hbm>>
        tpu.enqueue_dma source(%dma_start3A_87 : memref<40x128xi32, #tpu.memory_space<hbm>>) target(%arg6 : memref<40x128xi32, #tpu.memory_space<vmem>>) target_semaphore(%run_scoped3A_81 : memref<!tpu.dma_semaphore, #tpu.memory_space<semaphore_mem>>)
        %dma_wait3A_88 = arith.constant 0 : i32
        %dma_wait3A_89 = tpu.memref_slice %arg2[%run_scoped3A_46, %add3A_45, %dma_wait3A_88] : memref<2x2560x128xi32, #tpu.memory_space<hbm>> -> memref<1x40x128xi32, #tpu.memory_space<hbm>>
        %dma_wait3A_90 = tpu.memref_squeeze %dma_wait3A_89 : memref<1x40x128xi32, #tpu.memory_space<hbm>> -> memref<40x128xi32, #tpu.memory_space<hbm>>
        %dma_wait3A_91 = arith.constant 0 : i32
        %dma_wait3A_92 = tpu.memref_slice %arg2[%run_scoped3A_46, %add3A_45, %dma_wait3A_91] : memref<2x2560x128xi32, #tpu.memory_space<hbm>> -> memref<1x40x128xi32, #tpu.memory_space<hbm>>
        %dma_wait3A_93 = tpu.memref_squeeze %dma_wait3A_92 : memref<1x40x128xi32, #tpu.memory_space<hbm>> -> memref<40x128xi32, #tpu.memory_space<hbm>>
        tpu.wait_dma2 semaphore(%run_scoped3A_81 : memref<!tpu.dma_semaphore, #tpu.memory_space<semaphore_mem>>) src(%dma_wait3A_93 : memref<40x128xi32, #tpu.memory_space<hbm>>) dst(%arg6 : memref<40x128xi32, #tpu.memory_space<vmem>>)
        tpu.yield
      }) : () -> ()
      %dma_start3A = arith.constant 0 : i32
      %dma_start3A_47 = arith.constant 0 : i32
      %dma_start3A_48 = tpu.memref_slice %arg5[%dma_start3A, %dma_start3A_47] : memref<40x128xi32, #tpu.memory_space<vmem>> -> memref<1x128xi32, #tpu.memory_space<vmem>>
      %dma_start3A_49 = tpu.memref_squeeze %dma_start3A_48 : memref<1x128xi32, #tpu.memory_space<vmem>> -> memref<128xi32, #tpu.memory_space<vmem>>
      %dma_start3A_50 = arith.constant 0 : i32
      %dma_start3A_51 = arith.constant 0 : i32
      %dma_start3A_52 = tpu.memref_slice %arg3[%dma_start3A_50, %dma_start3A_51] : memref<10000x128xf32, #tpu.memory_space<hbm>> -> memref<10000x128xf32, #tpu.memory_space<hbm>>
      tpu.enqueue_indirect_dma source(%dma_start3A_52 : memref<10000x128xf32, #tpu.memory_space<hbm>>) target(%arg7 : memref<128x128xf32, #tpu.memory_space<vmem>>) offsets(%dma_start3A_49 : memref<128xi32, #tpu.memory_space<vmem>>) semaphore(%arg10 : memref<!tpu.dma_semaphore, #tpu.memory_space<semaphore_mem>>)
      %dma_start3A_53 = arith.constant 1 : i32
      %dma_start3A_54 = arith.constant 0 : i32
      %dma_start3A_55 = tpu.memref_slice %arg5[%dma_start3A_53, %dma_start3A_54] : memref<40x128xi32, #tpu.memory_space<vmem>> -> memref<1x128xi32, #tpu.memory_space<vmem>>
      %dma_start3A_56 = tpu.memref_squeeze %dma_start3A_55 : memref<1x128xi32, #tpu.memory_space<vmem>> -> memref<128xi32, #tpu.memory_space<vmem>>
      %dma_start3A_57 = arith.constant 0 : i32
      %dma_start3A_58 = arith.constant 0 : i32
      %dma_start3A_59 = tpu.memref_slice %arg3[%dma_start3A_57, %dma_start3A_58] : memref<10000x128xf32, #tpu.memory_space<hbm>> -> memref<10000x128xf32, #tpu.memory_space<hbm>>
      tpu.enqueue_indirect_dma source(%dma_start3A_59 : memref<10000x128xf32, #tpu.memory_space<hbm>>) target(%arg8 : memref<128x128xf32, #tpu.memory_space<vmem>>) offsets(%dma_start3A_56 : memref<128xi32, #tpu.memory_space<vmem>>) semaphore(%arg11 : memref<!tpu.dma_semaphore, #tpu.memory_space<semaphore_mem>>)
      %scan3A_60 = arith.constant 0 : i32
      %scan3A_61 = arith.constant 0 : i32
      %scan3A_62 = arith.constant 20 : i32
      %scan3A_63 = arith.addi %scan3A_61, %scan3A_62 : i32
      %scan3A_64 = arith.constant 1 : i32
      %scan3A_65 = scf.for %scan3A_81 = %scan3A_61 to %scan3A_63 step %scan3A_64 iter_args(%scan3A_82 = %scan3A_60) -> (i32)  : i32 {
        %mul3A_83 = arith.constant 2 : i32
        %mul3A_84 = arith.muli %mul3A_83, %scan3A_81 : i32
        %dma_wait3A_85 = arith.constant 0 : i32
        %dma_wait3A_86 = tpu.memref_slice %arg5[%mul3A_84, %dma_wait3A_85] : memref<40x128xi32, #tpu.memory_space<vmem>> -> memref<1x128xi32, #tpu.memory_space<vmem>>
        %dma_wait3A_87 = tpu.memref_squeeze %dma_wait3A_86 : memref<1x128xi32, #tpu.memory_space<vmem>> -> memref<128xi32, #tpu.memory_space<vmem>>
        %dma_wait3A_88 = arith.constant 0 : i32
        %dma_wait3A_89 = arith.constant 0 : i32
        %dma_wait3A_90 = tpu.memref_slice %arg3[%dma_wait3A_88, %dma_wait3A_89] : memref<10000x128xf32, #tpu.memory_space<hbm>> -> memref<10000x128xf32, #tpu.memory_space<hbm>>
        tpu.wait_indirect_dma semaphore(%arg10 : memref<!tpu.dma_semaphore, #tpu.memory_space<semaphore_mem>>) src(%dma_wait3A_90 : memref<10000x128xf32, #tpu.memory_space<hbm>>) dst(%arg7 : memref<128x128xf32, #tpu.memory_space<vmem>>)
        "tpu.region"() ({
          %run_scoped3A_121 = tpu.sem_alloc : memref<!tpu.dma_semaphore, #tpu.memory_space<semaphore_mem>>
          %dma_start3A_122 = arith.constant 0 : i32
          %dma_start3A_123 = tpu.memref_slice %arg6[%mul3A_84, %dma_start3A_122] : memref<40x128xi32, #tpu.memory_space<vmem>> -> memref<1x128xi32, #tpu.memory_space<vmem>>
          %dma_start3A_124 = tpu.memref_squeeze %dma_start3A_123 : memref<1x128xi32, #tpu.memory_space<vmem>> -> memref<128xi32, #tpu.memory_space<vmem>>
          %dma_start3A_125 = arith.constant 0 : i32
          %dma_start3A_126 = arith.constant 0 : i32
          %dma_start3A_127 = tpu.memref_slice %arg9[%dma_start3A_125, %dma_start3A_126] : memref<10240x128xf32, #tpu.memory_space<vmem_shared>> -> memref<10240x128xf32, #tpu.memory_space<vmem_shared>>
          tpu.enqueue_indirect_dma source(%arg7 : memref<128x128xf32, #tpu.memory_space<vmem>>) target(%dma_start3A_127 : memref<10240x128xf32, #tpu.memory_space<vmem_shared>>) offsets(%dma_start3A_124 : memref<128xi32, #tpu.memory_space<vmem>>) semaphore(%run_scoped3A_121 : memref<!tpu.dma_semaphore, #tpu.memory_space<semaphore_mem>>) {add = true}
          %dma_wait3A_128 = arith.constant 0 : i32
          %dma_wait3A_129 = tpu.memref_slice %arg6[%mul3A_84, %dma_wait3A_128] : memref<40x128xi32, #tpu.memory_space<vmem>> -> memref<1x128xi32, #tpu.memory_space<vmem>>
          %dma_wait3A_130 = tpu.memref_squeeze %dma_wait3A_129 : memref<1x128xi32, #tpu.memory_space<vmem>> -> memref<128xi32, #tpu.memory_space<vmem>>
          %dma_wait3A_131 = arith.constant 0 : i32
          %dma_wait3A_132 = arith.constant 0 : i32
          %dma_wait3A_133 = tpu.memref_slice %arg9[%dma_wait3A_131, %dma_wait3A_132] : memref<10240x128xf32, #tpu.memory_space<vmem_shared>> -> memref<10240x128xf32, #tpu.memory_space<vmem_shared>>
          tpu.wait_indirect_dma semaphore(%run_scoped3A_121 : memref<!tpu.dma_semaphore, #tpu.memory_space<semaphore_mem>>) src(%arg7 : memref<128x128xf32, #tpu.memory_space<vmem>>) dst(%dma_wait3A_133 : memref<10240x128xf32, #tpu.memory_space<vmem_shared>>)
          tpu.yield
        }) : () -> ()
        %add3A_91 = arith.constant 2 : i32
        %add3A_92 = arith.addi %mul3A_84, %add3A_91 : i32
        %min3A = arith.constant 39 : i32
        %min3A_93 = arith.minsi %add3A_92, %min3A : i32
        %dma_start3A_94 = arith.constant 0 : i32
        %dma_start3A_95 = tpu.memref_slice %arg5[%min3A_93, %dma_start3A_94] : memref<40x128xi32, #tpu.memory_space<vmem>> -> memref<1x128xi32, #tpu.memory_space<vmem>>
        %dma_start3A_96 = tpu.memref_squeeze %dma_start3A_95 : memref<1x128xi32, #tpu.memory_space<vmem>> -> memref<128xi32, #tpu.memory_space<vmem>>
        %dma_start3A_97 = arith.constant 0 : i32
        %dma_start3A_98 = arith.constant 0 : i32
        %dma_start3A_99 = tpu.memref_slice %arg3[%dma_start3A_97, %dma_start3A_98] : memref<10000x128xf32, #tpu.memory_space<hbm>> -> memref<10000x128xf32, #tpu.memory_space<hbm>>
        tpu.enqueue_indirect_dma source(%dma_start3A_99 : memref<10000x128xf32, #tpu.memory_space<hbm>>) target(%arg7 : memref<128x128xf32, #tpu.memory_space<vmem>>) offsets(%dma_start3A_96 : memref<128xi32, #tpu.memory_space<vmem>>) semaphore(%arg10 : memref<!tpu.dma_semaphore, #tpu.memory_space<semaphore_mem>>)
        %add3A_100 = arith.constant 1 : i32
        %add3A_101 = arith.addi %mul3A_84, %add3A_100 : i32
        %dma_wait3A_102 = arith.constant 0 : i32
        %dma_wait3A_103 = tpu.memref_slice %arg5[%add3A_101, %dma_wait3A_102] : memref<40x128xi32, #tpu.memory_space<vmem>> -> memref<1x128xi32, #tpu.memory_space<vmem>>
        %dma_wait3A_104 = tpu.memref_squeeze %dma_wait3A_103 : memref<1x128xi32, #tpu.memory_space<vmem>> -> memref<128xi32, #tpu.memory_space<vmem>>
        %dma_wait3A_105 = arith.constant 0 : i32
        %dma_wait3A_106 = arith.constant 0 : i32
        %dma_wait3A_107 = tpu.memref_slice %arg3[%dma_wait3A_105, %dma_wait3A_106] : memref<10000x128xf32, #tpu.memory_space<hbm>> -> memref<10000x128xf32, #tpu.memory_space<hbm>>
        tpu.wait_indirect_dma semaphore(%arg11 : memref<!tpu.dma_semaphore, #tpu.memory_space<semaphore_mem>>) src(%dma_wait3A_107 : memref<10000x128xf32, #tpu.memory_space<hbm>>) dst(%arg8 : memref<128x128xf32, #tpu.memory_space<vmem>>)
        %add3A_108 = arith.constant 1 : i32
        %add3A_109 = arith.addi %mul3A_84, %add3A_108 : i32
        "tpu.region"() ({
          %run_scoped3A_121 = tpu.sem_alloc : memref<!tpu.dma_semaphore, #tpu.memory_space<semaphore_mem>>
          %dma_start3A_122 = arith.constant 0 : i32
          %dma_start3A_123 = tpu.memref_slice %arg6[%add3A_109, %dma_start3A_122] : memref<40x128xi32, #tpu.memory_space<vmem>> -> memref<1x128xi32, #tpu.memory_space<vmem>>
          %dma_start3A_124 = tpu.memref_squeeze %dma_start3A_123 : memref<1x128xi32, #tpu.memory_space<vmem>> -> memref<128xi32, #tpu.memory_space<vmem>>
          %dma_start3A_125 = arith.constant 0 : i32
          %dma_start3A_126 = arith.constant 0 : i32
          %dma_start3A_127 = tpu.memref_slice %arg9[%dma_start3A_125, %dma_start3A_126] : memref<10240x128xf32, #tpu.memory_space<vmem_shared>> -> memref<10240x128xf32, #tpu.memory_space<vmem_shared>>
          tpu.enqueue_indirect_dma source(%arg8 : memref<128x128xf32, #tpu.memory_space<vmem>>) target(%dma_start3A_127 : memref<10240x128xf32, #tpu.memory_space<vmem_shared>>) offsets(%dma_start3A_124 : memref<128xi32, #tpu.memory_space<vmem>>) semaphore(%run_scoped3A_121 : memref<!tpu.dma_semaphore, #tpu.memory_space<semaphore_mem>>) {add = true}
          %dma_wait3A_128 = arith.constant 0 : i32
          %dma_wait3A_129 = tpu.memref_slice %arg6[%add3A_109, %dma_wait3A_128] : memref<40x128xi32, #tpu.memory_space<vmem>> -> memref<1x128xi32, #tpu.memory_space<vmem>>
          %dma_wait3A_130 = tpu.memref_squeeze %dma_wait3A_129 : memref<1x128xi32, #tpu.memory_space<vmem>> -> memref<128xi32, #tpu.memory_space<vmem>>
          %dma_wait3A_131 = arith.constant 0 : i32
          %dma_wait3A_132 = arith.constant 0 : i32
          %dma_wait3A_133 = tpu.memref_slice %arg9[%dma_wait3A_131, %dma_wait3A_132] : memref<10240x128xf32, #tpu.memory_space<vmem_shared>> -> memref<10240x128xf32, #tpu.memory_space<vmem_shared>>
          tpu.wait_indirect_dma semaphore(%run_scoped3A_121 : memref<!tpu.dma_semaphore, #tpu.memory_space<semaphore_mem>>) src(%arg8 : memref<128x128xf32, #tpu.memory_space<vmem>>) dst(%dma_wait3A_133 : memref<10240x128xf32, #tpu.memory_space<vmem_shared>>)
          tpu.yield
        }) : () -> ()
        %add3A_110 = arith.constant 3 : i32
        %add3A_111 = arith.addi %mul3A_84, %add3A_110 : i32
        %min3A_112 = arith.constant 39 : i32
        %min3A_113 = arith.minsi %add3A_111, %min3A_112 : i32
        %dma_start3A_114 = arith.constant 0 : i32
        %dma_start3A_115 = tpu.memref_slice %arg5[%min3A_113, %dma_start3A_114] : memref<40x128xi32, #tpu.memory_space<vmem>> -> memref<1x128xi32, #tpu.memory_space<vmem>>
        %dma_start3A_116 = tpu.memref_squeeze %dma_start3A_115 : memref<1x128xi32, #tpu.memory_space<vmem>> -> memref<128xi32, #tpu.memory_space<vmem>>
        %dma_start3A_117 = arith.constant 0 : i32
        %dma_start3A_118 = arith.constant 0 : i32
        %dma_start3A_119 = tpu.memref_slice %arg3[%dma_start3A_117, %dma_start3A_118] : memref<10000x128xf32, #tpu.memory_space<hbm>> -> memref<10000x128xf32, #tpu.memory_space<hbm>>
        tpu.enqueue_indirect_dma source(%dma_start3A_119 : memref<10000x128xf32, #tpu.memory_space<hbm>>) target(%arg8 : memref<128x128xf32, #tpu.memory_space<vmem>>) offsets(%dma_start3A_116 : memref<128xi32, #tpu.memory_space<vmem>>) semaphore(%arg11 : memref<!tpu.dma_semaphore, #tpu.memory_space<semaphore_mem>>)
        %scan3A_120 = arith.constant 0 : i32
        scf.yield %scan3A_120 : i32
      }
      %scan3A_66 = arith.constant 20 : i32
      %dma_wait3A = arith.constant 39 : i32
      %dma_wait3A_67 = arith.constant 0 : i32
      %dma_wait3A_68 = tpu.memref_slice %arg5[%dma_wait3A, %dma_wait3A_67] : memref<40x128xi32, #tpu.memory_space<vmem>> -> memref<1x128xi32, #tpu.memory_space<vmem>>
      %dma_wait3A_69 = tpu.memref_squeeze %dma_wait3A_68 : memref<1x128xi32, #tpu.memory_space<vmem>> -> memref<128xi32, #tpu.memory_space<vmem>>
      %dma_wait3A_70 = arith.constant 0 : i32
      %dma_wait3A_71 = arith.constant 0 : i32
      %dma_wait3A_72 = tpu.memref_slice %arg3[%dma_wait3A_70, %dma_wait3A_71] : memref<10000x128xf32, #tpu.memory_space<hbm>> -> memref<10000x128xf32, #tpu.memory_space<hbm>>
      tpu.wait_indirect_dma semaphore(%arg10 : memref<!tpu.dma_semaphore, #tpu.memory_space<semaphore_mem>>) src(%dma_wait3A_72 : memref<10000x128xf32, #tpu.memory_space<hbm>>) dst(%arg7 : memref<128x128xf32, #tpu.memory_space<vmem>>)
      %dma_wait3A_73 = arith.constant 39 : i32
      %dma_wait3A_74 = arith.constant 0 : i32
      %dma_wait3A_75 = tpu.memref_slice %arg5[%dma_wait3A_73, %dma_wait3A_74] : memref<40x128xi32, #tpu.memory_space<vmem>> -> memref<1x128xi32, #tpu.memory_space<vmem>>
      %dma_wait3A_76 = tpu.memref_squeeze %dma_wait3A_75 : memref<1x128xi32, #tpu.memory_space<vmem>> -> memref<128xi32, #tpu.memory_space<vmem>>
      %dma_wait3A_77 = arith.constant 0 : i32
      %dma_wait3A_78 = arith.constant 0 : i32
      %dma_wait3A_79 = tpu.memref_slice %arg3[%dma_wait3A_77, %dma_wait3A_78] : memref<10000x128xf32, #tpu.memory_space<hbm>> -> memref<10000x128xf32, #tpu.memory_space<hbm>>
      tpu.wait_indirect_dma semaphore(%arg11 : memref<!tpu.dma_semaphore, #tpu.memory_space<semaphore_mem>>) src(%dma_wait3A_79 : memref<10000x128xf32, #tpu.memory_space<hbm>>) dst(%arg8 : memref<128x128xf32, #tpu.memory_space<vmem>>)
      %scan3A_80 = arith.constant 0 : i32
      scf.yield %scan3A_80 : i32
    }
    %scan3A_33 = arith.constant 2 : i32
    %barrier3A_34 = arith.constant 0 : index
    tpu.barrier barrier_id(%barrier3A_34)
    %mul3A_35 = arith.constant 640 : i32
    %mul3A_36 = arith.muli %arg1, %mul3A_35 : i32
    %mul3A_37 = arith.constant 640 : i32
    %mul3A_38 = arith.muli %arg1, %mul3A_37 : i32
    "tpu.region"() ({
      %run_scoped3A = tpu.sem_alloc : memref<!tpu.dma_semaphore, #tpu.memory_space<semaphore_mem>>
      %dma_start3A = arith.constant 0 : i32
      %dma_start3A_39 = tpu.memref_slice %arg4[%arg0, %mul3A_38, %dma_start3A] : memref<2x10240x128xf32, #tpu.memory_space<hbm>> -> memref<1x640x128xf32, #tpu.memory_space<hbm>>
      %dma_start3A_40 = tpu.memref_squeeze %dma_start3A_39 : memref<1x640x128xf32, #tpu.memory_space<hbm>> -> memref<640x128xf32, #tpu.memory_space<hbm>>
      %dma_start3A_41 = arith.constant 0 : i32
      %dma_start3A_42 = tpu.memref_slice %arg9[%mul3A_36, %dma_start3A_41] : memref<10240x128xf32, #tpu.memory_space<vmem_shared>> -> memref<640x128xf32, #tpu.memory_space<vmem_shared>>
      tpu.enqueue_dma source(%dma_start3A_42 : memref<640x128xf32, #tpu.memory_space<vmem_shared>>) target(%dma_start3A_40 : memref<640x128xf32, #tpu.memory_space<hbm>>) target_semaphore(%run_scoped3A : memref<!tpu.dma_semaphore, #tpu.memory_space<semaphore_mem>>)
      %dma_wait3A = arith.constant 0 : i32
      %dma_wait3A_43 = tpu.memref_slice %arg4[%arg0, %mul3A_38, %dma_wait3A] : memref<2x10240x128xf32, #tpu.memory_space<hbm>> -> memref<1x640x128xf32, #tpu.memory_space<hbm>>
      %dma_wait3A_44 = tpu.memref_squeeze %dma_wait3A_43 : memref<1x640x128xf32, #tpu.memory_space<hbm>> -> memref<640x128xf32, #tpu.memory_space<hbm>>
      %dma_wait3A_45 = arith.constant 0 : i32
      %dma_wait3A_46 = tpu.memref_slice %arg9[%mul3A_36, %dma_wait3A_45] : memref<10240x128xf32, #tpu.memory_space<vmem_shared>> -> memref<640x128xf32, #tpu.memory_space<vmem_shared>>
      tpu.wait_dma2 semaphore(%run_scoped3A : memref<!tpu.dma_semaphore, #tpu.memory_space<semaphore_mem>>) src(%dma_wait3A_46 : memref<640x128xf32, #tpu.memory_space<vmem_shared>>) dst(%dma_wait3A_44 : memref<640x128xf32, #tpu.memory_space<hbm>>)
      tpu.yield
    }) : () -> ()
    return
  }
}

module attributes {stable_mosaic.version = 14 : i64} {
  func.func @body(%arg0: i32, %arg1: memref<2000x128xf32, #tpu.memory_space<vmem>>, %arg2: memref<128x128xf32, #tpu.memory_space<vmem>>, %arg3: memref<2x2000x1xf32, #tpu.memory_space<vmem>>, %arg4: memref<2000x128xf32, #tpu.memory_space<vmem>>) attributes {dimension_semantics = [#tpu.dimension_semantics<arbitrary>], iteration_bounds = array<i64: 5>, scalar_prefetch = 0 : i64, scratch_operands = 0 : i64, tpu.core_type = #tpu.core_type<tc>, window_params = [{transform_indices = @transform_0, window_bounds = array<i64: 2000, 128>}, {pipeline_mode = #tpu.pipeline_mode<synchronous>, transform_indices = @transform_1, window_bounds = array<i64: 128, 128>}, {transform_indices = @transform_2, window_bounds = array<i64: 2, 2000, 1>}, {transform_indices = @transform_3, window_bounds = array<i64: 2000, 128>}]} {
    %get3A = arith.constant 0 : index
    %get3A_0 = arith.constant 0 : index
    %get3A_1 = arith.constant 0 : index
    %get3A_2 = vector.load %arg3[%get3A, %get3A_0, %get3A_1] : memref<2x2000x1xf32, #tpu.memory_space<vmem>>, vector<1x2000x1xf32>
    %get3A_3 = vector.shape_cast %get3A_2 : vector<1x2000x1xf32> to vector<2000x1xf32>
    %get3A_4 = arith.constant 1 : index
    %get3A_5 = arith.constant 0 : index
    %get3A_6 = arith.constant 0 : index
    %get3A_7 = vector.load %arg3[%get3A_4, %get3A_5, %get3A_6] : memref<2x2000x1xf32, #tpu.memory_space<vmem>>, vector<1x2000x1xf32>
    %get3A_8 = vector.shape_cast %get3A_7 : vector<1x2000x1xf32> to vector<2000x1xf32>
    %add3A = arith.addf %get3A_3, %get3A_8 : vector<2000x1xf32>
    %add3A_9 = arith.constant 1.000000e+00 : f32
    %add3A_10 = vector.broadcast %add3A_9 : f32 to vector<2000x1xf32>
    %add3A_11 = arith.addf %add3A, %add3A_10 : vector<2000x1xf32>
    %rsqrt3A = math.rsqrt %add3A_11 : vector<2000x1xf32>
    %get3A_12 = arith.constant 0 : index
    %get3A_13 = arith.constant 0 : index
    %get3A_14 = vector.load %arg1[%get3A_12, %get3A_13] : memref<2000x128xf32, #tpu.memory_space<vmem>>, vector<2000x128xf32>
    %get3A_15 = arith.constant 0 : index
    %get3A_16 = arith.constant 0 : index
    %get3A_17 = vector.load %arg2[%get3A_15, %get3A_16] : memref<128x128xf32, #tpu.memory_space<vmem>>, vector<128x128xf32>
    %dot_general3A = arith.constant dense<0.000000e+00> : vector<2000x128xf32>
    %dot_general3A_18 = tpu.matmul %get3A_14, %get3A_17, %dot_general3A {dimension_numbers = #tpu.dot_dimension_numbers<[1], [1], [0], [0], [0, 0, 1, 0], [], []>, transpose_lhs_hint = false} : vector<2000x128xf32>, vector<128x128xf32>, vector<2000x128xf32> -> vector<2000x128xf32>
    %mul3A = vector.broadcast %rsqrt3A : vector<2000x1xf32> to vector<2000x128xf32>
    %mul3A_19 = arith.mulf %mul3A, %dot_general3A_18 : vector<2000x128xf32>
    %swap3A = arith.constant 0 : index
    %swap3A_20 = arith.constant 0 : index
    %swap3A_21 = vector.load %arg4[%swap3A, %swap3A_20] : memref<2000x128xf32, #tpu.memory_space<vmem>>, vector<2000x128xf32>
    tpu.vector_store %arg4[%swap3A, %swap3A_20], %mul3A_19 {strides = array<i32>} : memref<2000x128xf32, #tpu.memory_space<vmem>>, vector<2000x128xf32>,
    return
  }
  func.func @transform_0(%arg0: i32) -> (i32, i32) {
    %c0_i32 = arith.constant 0 : i32
    %c0_i32_0 = arith.constant 0 : i32
    return %arg0, %c0_i32 : i32, i32
  }
  func.func @transform_1(%arg0: i32) -> (i32, i32) {
    %c0_i32 = arith.constant 0 : i32
    %c0_i32_0 = arith.constant 0 : i32
    %c0_i32_1 = arith.constant 0 : i32
    return %c0_i32, %c0_i32_0 : i32, i32
  }
  func.func @transform_2(%arg0: i32) -> (i32, i32, i32) {
    %c0_i32 = arith.constant 0 : i32
    %c0_i32_0 = arith.constant 0 : i32
    %c0_i32_1 = arith.constant 0 : i32
    return %c0_i32, %arg0, %c0_i32_0 : i32, i32, i32
  }
  func.func @transform_3(%arg0: i32) -> (i32, i32) {
    %c0_i32 = arith.constant 0 : i32
    %c0_i32_0 = arith.constant 0 : i32
    return %arg0, %c0_i32 : i32, i32
  }
}

module attributes {stable_mosaic.version = 14 : i64} {
  func.func @body(%arg0: i32, %arg1: memref<2x2000x128xf32, #tpu.memory_space<vmem>>, %arg2: memref<2000x128xf32, #tpu.memory_space<vmem>>, %arg3: memref<2x2000x1xf32, #tpu.memory_space<vmem>>, %arg4: memref<1x128xf32, #tpu.memory_space<vmem>>, %arg5: memref<1x128xf32, #tpu.memory_space<vmem>>, %arg6: memref<1x128xf32, #tpu.memory_space<vmem>>, %arg7: memref<128x128xf32, #tpu.memory_space<vmem>>, %arg8: memref<2000x128xf32, #tpu.memory_space<vmem>>) attributes {dimension_semantics = [#tpu.dimension_semantics<arbitrary>], iteration_bounds = array<i64: 5>, scalar_prefetch = 0 : i64, scratch_operands = 0 : i64, tpu.core_type = #tpu.core_type<tc>, window_params = [{transform_indices = @transform_0, window_bounds = array<i64: 2, 2000, 128>}, {transform_indices = @transform_1, window_bounds = array<i64: 2000, 128>}, {transform_indices = @transform_2, window_bounds = array<i64: 2, 2000, 1>}, {pipeline_mode = #tpu.pipeline_mode<synchronous>, transform_indices = @transform_3, window_bounds = array<i64: 1, 128>}, {pipeline_mode = #tpu.pipeline_mode<synchronous>, transform_indices = @transform_4, window_bounds = array<i64: 1, 128>}, {pipeline_mode = #tpu.pipeline_mode<synchronous>, transform_indices = @transform_5, window_bounds = array<i64: 1, 128>}, {pipeline_mode = #tpu.pipeline_mode<synchronous>, transform_indices = @transform_6, window_bounds = array<i64: 128, 128>}, {transform_indices = @transform_7, window_bounds = array<i64: 2000, 128>}]} {
    %get3A = arith.constant 0 : index
    %get3A_0 = arith.constant 0 : index
    %get3A_1 = arith.constant 0 : index
    %get3A_2 = vector.load %arg3[%get3A, %get3A_0, %get3A_1] : memref<2x2000x1xf32, #tpu.memory_space<vmem>>, vector<1x2000x1xf32>
    %get3A_3 = vector.shape_cast %get3A_2 : vector<1x2000x1xf32> to vector<2000x1xf32>
    %get3A_4 = arith.constant 1 : index
    %get3A_5 = arith.constant 0 : index
    %get3A_6 = arith.constant 0 : index
    %get3A_7 = vector.load %arg3[%get3A_4, %get3A_5, %get3A_6] : memref<2x2000x1xf32, #tpu.memory_space<vmem>>, vector<1x2000x1xf32>
    %get3A_8 = vector.shape_cast %get3A_7 : vector<1x2000x1xf32> to vector<2000x1xf32>
    %add3A = arith.addf %get3A_3, %get3A_8 : vector<2000x1xf32>
    %add3A_9 = arith.constant 1.000000e+00 : f32
    %add3A_10 = vector.broadcast %add3A_9 : f32 to vector<2000x1xf32>
    %add3A_11 = arith.addf %add3A, %add3A_10 : vector<2000x1xf32>
    %rsqrt3A = math.rsqrt %add3A_11 : vector<2000x1xf32>
    %get3A_12 = arith.constant 0 : index
    %get3A_13 = arith.constant 0 : index
    %get3A_14 = arith.constant 0 : index
    %get3A_15 = vector.load %arg1[%get3A_12, %get3A_13, %get3A_14] : memref<2x2000x128xf32, #tpu.memory_space<vmem>>, vector<1x2000x128xf32>
    %get3A_16 = vector.shape_cast %get3A_15 : vector<1x2000x128xf32> to vector<2000x128xf32>
    %get3A_17 = arith.constant 1 : index
    %get3A_18 = arith.constant 0 : index
    %get3A_19 = arith.constant 0 : index
    %get3A_20 = vector.load %arg1[%get3A_17, %get3A_18, %get3A_19] : memref<2x2000x128xf32, #tpu.memory_space<vmem>>, vector<1x2000x128xf32>
    %get3A_21 = vector.shape_cast %get3A_20 : vector<1x2000x128xf32> to vector<2000x128xf32>
    %add3A_22 = arith.addf %get3A_16, %get3A_21 : vector<2000x128xf32>
    %get3A_23 = arith.constant 0 : index
    %get3A_24 = arith.constant 0 : index
    %get3A_25 = vector.load %arg2[%get3A_23, %get3A_24] : memref<2000x128xf32, #tpu.memory_space<vmem>>, vector<2000x128xf32>
    %add3A_26 = arith.addf %add3A_22, %get3A_25 : vector<2000x128xf32>
    %mul3A = vector.broadcast %rsqrt3A : vector<2000x1xf32> to vector<2000x128xf32>
    %mul3A_27 = arith.mulf %mul3A, %add3A_26 : vector<2000x128xf32>
    %get3A_28 = arith.constant 0 : index
    %get3A_29 = arith.constant 0 : index
    %get3A_30 = vector.load %arg4[%get3A_28, %get3A_29] : memref<1x128xf32, #tpu.memory_space<vmem>>, vector<1x128xf32>
    %add3A_31 = vector.broadcast %get3A_30 : vector<1x128xf32> to vector<2000x128xf32>
    %add3A_32 = arith.addf %mul3A_27, %add3A_31 : vector<2000x128xf32>
    %max3A = arith.constant 0.000000e+00 : f32
    %max3A_33 = vector.broadcast %max3A : f32 to vector<2000x128xf32>
    %max3A_34 = arith.maximumf %add3A_32, %max3A_33 : vector<2000x128xf32>
    %get3A_35 = arith.constant 0 : index
    %get3A_36 = arith.constant 0 : index
    %get3A_37 = vector.load %arg5[%get3A_35, %get3A_36] : memref<1x128xf32, #tpu.memory_space<vmem>>, vector<1x128xf32>
    %mul3A_38 = arith.constant 0.999994993 : f32
    %mul3A_39 = vector.broadcast %mul3A_38 : f32 to vector<1x128xf32>
    %mul3A_40 = arith.mulf %get3A_37, %mul3A_39 : vector<1x128xf32>
    %mul3A_41 = vector.broadcast %mul3A_40 : vector<1x128xf32> to vector<2000x128xf32>
    %mul3A_42 = arith.mulf %max3A_34, %mul3A_41 : vector<2000x128xf32>
    %get3A_43 = arith.constant 0 : index
    %get3A_44 = arith.constant 0 : index
    %get3A_45 = vector.load %arg6[%get3A_43, %get3A_44] : memref<1x128xf32, #tpu.memory_space<vmem>>, vector<1x128xf32>
    %add3A_46 = vector.broadcast %get3A_45 : vector<1x128xf32> to vector<2000x128xf32>
    %add3A_47 = arith.addf %mul3A_42, %add3A_46 : vector<2000x128xf32>
    %get3A_48 = arith.constant 0 : index
    %get3A_49 = arith.constant 0 : index
    %get3A_50 = vector.load %arg7[%get3A_48, %get3A_49] : memref<128x128xf32, #tpu.memory_space<vmem>>, vector<128x128xf32>
    %dot_general3A = arith.constant dense<0.000000e+00> : vector<2000x128xf32>
    %dot_general3A_51 = tpu.matmul %add3A_47, %get3A_50, %dot_general3A {dimension_numbers = #tpu.dot_dimension_numbers<[1], [1], [0], [0], [0, 0, 1, 0], [], []>, transpose_lhs_hint = false} : vector<2000x128xf32>, vector<128x128xf32>, vector<2000x128xf32> -> vector<2000x128xf32>
    %mul3A_52 = vector.broadcast %rsqrt3A : vector<2000x1xf32> to vector<2000x128xf32>
    %mul3A_53 = arith.mulf %mul3A_52, %dot_general3A_51 : vector<2000x128xf32>
    %swap3A = arith.constant 0 : index
    %swap3A_54 = arith.constant 0 : index
    %swap3A_55 = vector.load %arg8[%swap3A, %swap3A_54] : memref<2000x128xf32, #tpu.memory_space<vmem>>, vector<2000x128xf32>
    tpu.vector_store %arg8[%swap3A, %swap3A_54], %mul3A_53 {strides = array<i32>} : memref<2000x128xf32, #tpu.memory_space<vmem>>, vector<2000x128xf32>,
    return
  }
  func.func @transform_0(%arg0: i32) -> (i32, i32, i32) {
    %c0_i32 = arith.constant 0 : i32
    %c0_i32_0 = arith.constant 0 : i32
    %c0_i32_1 = arith.constant 0 : i32
    return %c0_i32, %arg0, %c0_i32_0 : i32, i32, i32
  }
  func.func @transform_1(%arg0: i32) -> (i32, i32) {
    %c0_i32 = arith.constant 0 : i32
    %c0_i32_0 = arith.constant 0 : i32
    return %arg0, %c0_i32 : i32, i32
  }
  func.func @transform_2(%arg0: i32) -> (i32, i32, i32) {
    %c0_i32 = arith.constant 0 : i32
    %c0_i32_0 = arith.constant 0 : i32
    %c0_i32_1 = arith.constant 0 : i32
    return %c0_i32, %arg0, %c0_i32_0 : i32, i32, i32
  }
  func.func @transform_3(%arg0: i32) -> (i32, i32) {
    %c0_i32 = arith.constant 0 : i32
    %c0_i32_0 = arith.constant 0 : i32
    %c0_i32_1 = arith.constant 0 : i32
    return %c0_i32, %c0_i32_0 : i32, i32
  }
  func.func @transform_4(%arg0: i32) -> (i32, i32) {
    %c0_i32 = arith.constant 0 : i32
    %c0_i32_0 = arith.constant 0 : i32
    %c0_i32_1 = arith.constant 0 : i32
    return %c0_i32, %c0_i32_0 : i32, i32
  }
  func.func @transform_5(%arg0: i32) -> (i32, i32) {
    %c0_i32 = arith.constant 0 : i32
    %c0_i32_0 = arith.constant 0 : i32
    %c0_i32_1 = arith.constant 0 : i32
    return %c0_i32, %c0_i32_0 : i32, i32
  }
  func.func @transform_6(%arg0: i32) -> (i32, i32) {
    %c0_i32 = arith.constant 0 : i32
    %c0_i32_0 = arith.constant 0 : i32
    %c0_i32_1 = arith.constant 0 : i32
    return %c0_i32, %c0_i32_0 : i32, i32
  }
  func.func @transform_7(%arg0: i32) -> (i32, i32) {
    %c0_i32 = arith.constant 0 : i32
    %c0_i32_0 = arith.constant 0 : i32
    return %arg0, %c0_i32 : i32, i32
  }
}

module attributes {stable_mosaic.version = 14 : i64} {
  func.func @body(%arg0: i32, %arg1: memref<2x2000x128xf32, #tpu.memory_space<vmem>>, %arg2: memref<2000x128xf32, #tpu.memory_space<vmem>>, %arg3: memref<2x2000x1xf32, #tpu.memory_space<vmem>>, %arg4: memref<1x128xf32, #tpu.memory_space<vmem>>, %arg5: memref<1x128xf32, #tpu.memory_space<vmem>>, %arg6: memref<1x128xf32, #tpu.memory_space<vmem>>, %arg7: memref<128x128xf32, #tpu.memory_space<vmem>>, %arg8: memref<1x128xf32, #tpu.memory_space<vmem>>, %arg9: memref<16x128xf32, #tpu.memory_space<vmem>>, %arg10: memref<1x16xf32, #tpu.memory_space<vmem>>, %arg11: memref<2000x16xf32, #tpu.memory_space<vmem>>) attributes {dimension_semantics = [#tpu.dimension_semantics<arbitrary>], iteration_bounds = array<i64: 5>, scalar_prefetch = 0 : i64, scratch_operands = 0 : i64, tpu.core_type = #tpu.core_type<tc>, window_params = [{transform_indices = @transform_0, window_bounds = array<i64: 2, 2000, 128>}, {transform_indices = @transform_1, window_bounds = array<i64: 2000, 128>}, {transform_indices = @transform_2, window_bounds = array<i64: 2, 2000, 1>}, {pipeline_mode = #tpu.pipeline_mode<synchronous>, transform_indices = @transform_3, window_bounds = array<i64: 1, 128>}, {pipeline_mode = #tpu.pipeline_mode<synchronous>, transform_indices = @transform_4, window_bounds = array<i64: 1, 128>}, {pipeline_mode = #tpu.pipeline_mode<synchronous>, transform_indices = @transform_5, window_bounds = array<i64: 1, 128>}, {pipeline_mode = #tpu.pipeline_mode<synchronous>, transform_indices = @transform_6, window_bounds = array<i64: 128, 128>}, {pipeline_mode = #tpu.pipeline_mode<synchronous>, transform_indices = @transform_7, window_bounds = array<i64: 1, 128>}, {pipeline_mode = #tpu.pipeline_mode<synchronous>, transform_indices = @transform_8, window_bounds = array<i64: 16, 128>}, {pipeline_mode = #tpu.pipeline_mode<synchronous>, transform_indices = @transform_9, window_bounds = array<i64: 1, 16>}, {transform_indices = @transform_10, window_bounds = array<i64: 2000, 16>}]} {
    %get3A = arith.constant 0 : index
    %get3A_0 = arith.constant 0 : index
    %get3A_1 = arith.constant 0 : index
    %get3A_2 = vector.load %arg3[%get3A, %get3A_0, %get3A_1] : memref<2x2000x1xf32, #tpu.memory_space<vmem>>, vector<1x2000x1xf32>
    %get3A_3 = vector.shape_cast %get3A_2 : vector<1x2000x1xf32> to vector<2000x1xf32>
    %get3A_4 = arith.constant 1 : index
    %get3A_5 = arith.constant 0 : index
    %get3A_6 = arith.constant 0 : index
    %get3A_7 = vector.load %arg3[%get3A_4, %get3A_5, %get3A_6] : memref<2x2000x1xf32, #tpu.memory_space<vmem>>, vector<1x2000x1xf32>
    %get3A_8 = vector.shape_cast %get3A_7 : vector<1x2000x1xf32> to vector<2000x1xf32>
    %add3A = arith.addf %get3A_3, %get3A_8 : vector<2000x1xf32>
    %add3A_9 = arith.constant 1.000000e+00 : f32
    %add3A_10 = vector.broadcast %add3A_9 : f32 to vector<2000x1xf32>
    %add3A_11 = arith.addf %add3A, %add3A_10 : vector<2000x1xf32>
    %rsqrt3A = math.rsqrt %add3A_11 : vector<2000x1xf32>
    %get3A_12 = arith.constant 0 : index
    %get3A_13 = arith.constant 0 : index
    %get3A_14 = arith.constant 0 : index
    %get3A_15 = vector.load %arg1[%get3A_12, %get3A_13, %get3A_14] : memref<2x2000x128xf32, #tpu.memory_space<vmem>>, vector<1x2000x128xf32>
    %get3A_16 = vector.shape_cast %get3A_15 : vector<1x2000x128xf32> to vector<2000x128xf32>
    %get3A_17 = arith.constant 1 : index
    %get3A_18 = arith.constant 0 : index
    %get3A_19 = arith.constant 0 : index
    %get3A_20 = vector.load %arg1[%get3A_17, %get3A_18, %get3A_19] : memref<2x2000x128xf32, #tpu.memory_space<vmem>>, vector<1x2000x128xf32>
    %get3A_21 = vector.shape_cast %get3A_20 : vector<1x2000x128xf32> to vector<2000x128xf32>
    %add3A_22 = arith.addf %get3A_16, %get3A_21 : vector<2000x128xf32>
    %get3A_23 = arith.constant 0 : index
    %get3A_24 = arith.constant 0 : index
    %get3A_25 = vector.load %arg2[%get3A_23, %get3A_24] : memref<2000x128xf32, #tpu.memory_space<vmem>>, vector<2000x128xf32>
    %add3A_26 = arith.addf %add3A_22, %get3A_25 : vector<2000x128xf32>
    %mul3A = vector.broadcast %rsqrt3A : vector<2000x1xf32> to vector<2000x128xf32>
    %mul3A_27 = arith.mulf %mul3A, %add3A_26 : vector<2000x128xf32>
    %get3A_28 = arith.constant 0 : index
    %get3A_29 = arith.constant 0 : index
    %get3A_30 = vector.load %arg4[%get3A_28, %get3A_29] : memref<1x128xf32, #tpu.memory_space<vmem>>, vector<1x128xf32>
    %add3A_31 = vector.broadcast %get3A_30 : vector<1x128xf32> to vector<2000x128xf32>
    %add3A_32 = arith.addf %mul3A_27, %add3A_31 : vector<2000x128xf32>
    %max3A = arith.constant 0.000000e+00 : f32
    %max3A_33 = vector.broadcast %max3A : f32 to vector<2000x128xf32>
    %max3A_34 = arith.maximumf %add3A_32, %max3A_33 : vector<2000x128xf32>
    %get3A_35 = arith.constant 0 : index
    %get3A_36 = arith.constant 0 : index
    %get3A_37 = vector.load %arg5[%get3A_35, %get3A_36] : memref<1x128xf32, #tpu.memory_space<vmem>>, vector<1x128xf32>
    %mul3A_38 = arith.constant 0.999994993 : f32
    %mul3A_39 = vector.broadcast %mul3A_38 : f32 to vector<1x128xf32>
    %mul3A_40 = arith.mulf %get3A_37, %mul3A_39 : vector<1x128xf32>
    %mul3A_41 = vector.broadcast %mul3A_40 : vector<1x128xf32> to vector<2000x128xf32>
    %mul3A_42 = arith.mulf %max3A_34, %mul3A_41 : vector<2000x128xf32>
    %get3A_43 = arith.constant 0 : index
    %get3A_44 = arith.constant 0 : index
    %get3A_45 = vector.load %arg6[%get3A_43, %get3A_44] : memref<1x128xf32, #tpu.memory_space<vmem>>, vector<1x128xf32>
    %add3A_46 = vector.broadcast %get3A_45 : vector<1x128xf32> to vector<2000x128xf32>
    %add3A_47 = arith.addf %mul3A_42, %add3A_46 : vector<2000x128xf32>
    %get3A_48 = arith.constant 0 : index
    %get3A_49 = arith.constant 0 : index
    %get3A_50 = vector.load %arg7[%get3A_48, %get3A_49] : memref<128x128xf32, #tpu.memory_space<vmem>>, vector<128x128xf32>
    %dot_general3A = arith.constant dense<0.000000e+00> : vector<2000x128xf32>
    %dot_general3A_51 = tpu.matmul %add3A_47, %get3A_50, %dot_general3A {dimension_numbers = #tpu.dot_dimension_numbers<[1], [1], [0], [0], [0, 0, 1, 0], [], []>, transpose_lhs_hint = false} : vector<2000x128xf32>, vector<128x128xf32>, vector<2000x128xf32> -> vector<2000x128xf32>
    %get3A_52 = arith.constant 0 : index
    %get3A_53 = arith.constant 0 : index
    %get3A_54 = vector.load %arg8[%get3A_52, %get3A_53] : memref<1x128xf32, #tpu.memory_space<vmem>>, vector<1x128xf32>
    %add3A_55 = vector.broadcast %get3A_54 : vector<1x128xf32> to vector<2000x128xf32>
    %add3A_56 = arith.addf %dot_general3A_51, %add3A_55 : vector<2000x128xf32>
    %max3A_57 = arith.constant 0.000000e+00 : f32
    %max3A_58 = vector.broadcast %max3A_57 : f32 to vector<2000x128xf32>
    %max3A_59 = arith.maximumf %add3A_56, %max3A_58 : vector<2000x128xf32>
    %get3A_60 = arith.constant 0 : index
    %get3A_61 = arith.constant 0 : index
    %get3A_62 = vector.load %arg9[%get3A_60, %get3A_61] : memref<16x128xf32, #tpu.memory_space<vmem>>, vector<16x128xf32>
    %dot_general3A_63 = arith.constant dense<0.000000e+00> : vector<2000x16xf32>
    %dot_general3A_64 = tpu.matmul %max3A_59, %get3A_62, %dot_general3A_63 {dimension_numbers = #tpu.dot_dimension_numbers<[1], [1], [0], [0], [0, 0, 1, 0], [], []>, transpose_lhs_hint = false} : vector<2000x128xf32>, vector<16x128xf32>, vector<2000x16xf32> -> vector<2000x16xf32>
    %get3A_65 = arith.constant 0 : index
    %get3A_66 = arith.constant 0 : index
    %get3A_67 = vector.load %arg10[%get3A_65, %get3A_66] : memref<1x16xf32, #tpu.memory_space<vmem>>, vector<1x16xf32>
    %add3A_68 = vector.broadcast %get3A_67 : vector<1x16xf32> to vector<2000x16xf32>
    %add3A_69 = arith.addf %dot_general3A_64, %add3A_68 : vector<2000x16xf32>
    %reduce_max3A = arith.constant dense<0xFF800000> : vector<2000xf32>
    %reduce_max3A_70 = vector.multi_reduction <maximumf>, %add3A_69, %reduce_max3A [1] : vector<2000x16xf32> to vector<2000xf32>
    %broadcast_in_dim3A = vector.shape_cast %reduce_max3A_70 : vector<2000xf32> to vector<2000x1xf32>
    %sub3A = vector.broadcast %broadcast_in_dim3A : vector<2000x1xf32> to vector<2000x16xf32>
    %sub3A_71 = arith.subf %add3A_69, %sub3A : vector<2000x16xf32>
    %exp3A = math.exp %sub3A_71 : vector<2000x16xf32>
    %reduce_sum3A = arith.constant dense<0.000000e+00> : vector<2000xf32>
    %reduce_sum3A_72 = vector.multi_reduction <add>, %exp3A, %reduce_sum3A [1] : vector<2000x16xf32> to vector<2000xf32>
    %broadcast_in_dim3A_73 = vector.shape_cast %reduce_sum3A_72 : vector<2000xf32> to vector<2000x1xf32>
    %log3A = math.log %broadcast_in_dim3A_73 : vector<2000x1xf32>
    %add3A_74 = arith.addf %log3A, %broadcast_in_dim3A : vector<2000x1xf32>
    %sub3A_75 = vector.broadcast %add3A_74 : vector<2000x1xf32> to vector<2000x16xf32>
    %sub3A_76 = arith.subf %add3A_69, %sub3A_75 : vector<2000x16xf32>
    %swap3A = arith.constant 0 : index
    %swap3A_77 = arith.constant 0 : index
    %swap3A_78 = vector.load %arg11[%swap3A, %swap3A_77] : memref<2000x16xf32, #tpu.memory_space<vmem>>, vector<2000x16xf32>
    tpu.vector_store %arg11[%swap3A, %swap3A_77], %sub3A_76 {strides = array<i32>} : memref<2000x16xf32, #tpu.memory_space<vmem>>, vector<2000x16xf32>,
    return
  }
  func.func @transform_0(%arg0: i32) -> (i32, i32, i32) {
    %c0_i32 = arith.constant 0 : i32
    %c0_i32_0 = arith.constant 0 : i32
    %c0_i32_1 = arith.constant 0 : i32
    return %c0_i32, %arg0, %c0_i32_0 : i32, i32, i32
  }
  func.func @transform_1(%arg0: i32) -> (i32, i32) {
    %c0_i32 = arith.constant 0 : i32
    %c0_i32_0 = arith.constant 0 : i32
    return %arg0, %c0_i32 : i32, i32
  }
  func.func @transform_2(%arg0: i32) -> (i32, i32, i32) {
    %c0_i32 = arith.constant 0 : i32
    %c0_i32_0 = arith.constant 0 : i32
    %c0_i32_1 = arith.constant 0 : i32
    return %c0_i32, %arg0, %c0_i32_0 : i32, i32, i32
  }
  func.func @transform_3(%arg0: i32) -> (i32, i32) {
    %c0_i32 = arith.constant 0 : i32
    %c0_i32_0 = arith.constant 0 : i32
    %c0_i32_1 = arith.constant 0 : i32
    return %c0_i32, %c0_i32_0 : i32, i32
  }
  func.func @transform_4(%arg0: i32) -> (i32, i32) {
    %c0_i32 = arith.constant 0 : i32
    %c0_i32_0 = arith.constant 0 : i32
    %c0_i32_1 = arith.constant 0 : i32
    return %c0_i32, %c0_i32_0 : i32, i32
  }
  func.func @transform_5(%arg0: i32) -> (i32, i32) {
    %c0_i32 = arith.constant 0 : i32
    %c0_i32_0 = arith.constant 0 : i32
    %c0_i32_1 = arith.constant 0 : i32
    return %c0_i32, %c0_i32_0 : i32, i32
  }
  func.func @transform_6(%arg0: i32) -> (i32, i32) {
    %c0_i32 = arith.constant 0 : i32
    %c0_i32_0 = arith.constant 0 : i32
    %c0_i32_1 = arith.constant 0 : i32
    return %c0_i32, %c0_i32_0 : i32, i32
  }
  func.func @transform_7(%arg0: i32) -> (i32, i32) {
    %c0_i32 = arith.constant 0 : i32
    %c0_i32_0 = arith.constant 0 : i32
    %c0_i32_1 = arith.constant 0 : i32
    return %c0_i32, %c0_i32_0 : i32, i32
  }
  func.func @transform_8(%arg0: i32) -> (i32, i32) {
    %c0_i32 = arith.constant 0 : i32
    %c0_i32_0 = arith.constant 0 : i32
    %c0_i32_1 = arith.constant 0 : i32
    return %c0_i32, %c0_i32_0 : i32, i32
  }
  func.func @transform_9(%arg0: i32) -> (i32, i32) {
    %c0_i32 = arith.constant 0 : i32
    %c0_i32_0 = arith.constant 0 : i32
    %c0_i32_1 = arith.constant 0 : i32
    return %c0_i32, %c0_i32_0 : i32, i32
  }
  func.func @transform_10(%arg0: i32) -> (i32, i32) {
    %c0_i32 = arith.constant 0 : i32
    %c0_i32_0 = arith.constant 0 : i32
    return %arg0, %c0_i32 : i32, i32
  }
}

</mosaic_0001>

<sc_bundles>
// kernel: kernel.11.cloned.1.call-start
scs
__scs_entry_jumppad:
0x0: {  	(pc) =	sbr.rel $0x88, $3  }
0x1: {  	(tag) =	ssettag $0x0;
	lr =	simm.s32 $0x1  }
0x2: {  	[smem:$0x3F93] =	sst lr;
	_ =	strace $0xD0000000  }
0x3: {  	_ = 	snop  }
0x4: {  	_ = 	snop  }
0x5: {  	_ = 	snop  }
0x6: {  	_ = 	snop  }
0x7: {  	_ = 	snop  }
__scs_overlays_trampoline_lowered:
0x8: {  	[smem:$0x3FA2] =	sst s0  }
0x9: {  	[smem:$0x3FA3] =	sst s1  }
0xa: {  	[smem:$0x3FA4] =	sst s2  }
0xb: {  	[smem:$0x3FA5] =	sst s3  }
0xc: {  	[smem:$0x3FA6] =	sst s4  }
0xd: {  	[smem:$0x3FA7] =	sst s5  }
0xe: {  	[smem:$0x3FA8] =	sst s6  }
0xf: {  	[smem:$0x3FA9] =	sst s7  }
0x10: {  	[smem:$0x3FAA] =	sst s8  }
0x11: {  	[smem:$0x3FAB] =	sst s9;
	s0 =	simm.s32 @!p0 $0x0  }
0x12: {  	s1 =	sld [smem:$0x3F91];
	s0 =	simm.s32 @p0 $0x1  }
0x13: {  	[smem:$0x3FAC] =	sst s0;
	s0 =	simm.s32 @!p1 $0x0  }
0x14: {  	s2 =	sld [smem:$0x3F90];
	s0 =	simm.s32 @p1 $0x1  }
0x15: {  	[smem:$0x3FAD] =	sst s0;
	s0 =	simm.s32 @!p2 $0x0  }
0x16: {  	s3 =	sld [smem:$0x3FDB];
	s0 =	simm.s32 @p2 $0x1  }
0x17: {  	s4 =	simm.s32 $0x1BF5;
	[smem:$0x3FAF] =	sst s0  }
0x18: {  	s0 =	sld [smem:$0x3F92];
	_ =	swait.ge [sflag:s4], $0x0  }
0x19: {  	s7 =	sld [smem:$0x3F93]  }
0x1a: {  	s8 =	sadd.s32 $0xFFFFE003, lr  }
0x1b: {  	s9 =	sadd.s32 $0xFFFFFEF7, lr;
	s5 =	simm.s32 $0xFFFFFFFF;
	p2 =	slt.u32 s8, $0xFFFFF086  }
0x1c: {  	p1 =	slt.u32 s9, $0xF7A;
	s5 =	simm.s32 @!p2 $0x0  }
0x1d: {  	s5 =	simm.s32 @p1 $0x1;
	p0 =	seq.s32 s7, s2  }
0x1e: {  	s7 =	smul.u32 @!p0 $0xF7A, s2;
	p2 =	seq.s32 @!p0 s5, $0x0  }
0x1f: {  	s9 =	smul.u32 $0xF7A, s1;
	s8 =	simm.s32 @!p0 $0x1BF5;
	p2 =	por !p2, p0  }
0x20: {  	[sflag:s8] =	ssyncset.s32 @!p0 $0xFFFFF086;
	s6 =	sadd.s32 @!p0 s3, s7;
	s7 =	simm.s32 @!p0 $0x108  }
0x21: {  	s3 =	sadd.s32 s3, s9;
	s6 =	sadd.s32 @!p0 $0x88, s6;
	s7 =	simm.s32 @p2 $0x1082  }
0x22: {  	[simem:s7], [sflag:s8] =	dma.local @!p0 [hbm:s6], $0xF7A  }
0x23: {  	s9 =	sor.u32 $0xD0000000, s2;
	s6 =	simm.s32 $0x108;
	_ =	swait.ge @!p0 [sflag:s8], $0x0  }
0x24: {  	s3 =	sadd.s32 $0x88, s3;
	s6 =	simm.s32 @!p1 $0x1082;
	[sflag:s4] =	ssyncset.s32 $0xFFFFF086  }
0x25: {  	[simem:s6], [sflag:s4] =	dma.local [hbm:s3], $0xF7A  }
0x26: {  	[smem:$0x3F93] =	sst s1;
	(tag) =	ssettag s2;
	_ =	strace s9  }
0x27: {  	s1 =	sld [smem:$0x3FA3]  }
0x28: {  	s2 =	sld [smem:$0x3FA4]  }
0x29: {  	s4 =	sld [smem:$0x3FA6]  }
0x2a: {  	p0 =	seq.s32 s5, $0x0;
	s5 =	sld [smem:$0x3FA7]  }
0x2b: {  	s6 =	sld [smem:$0x3FA8]  }
0x2c: {  	s7 =	sld [smem:$0x3FA9]  }
0x2d: {  	s3 =	simm.s32 $0x108;
	s8 =	sld [smem:$0x3FAA]  }
0x2e: {  	s3 =	simm.s32 @!p0 $0x1082;
	s9 =	sld [smem:$0x3FAB]  }
0x2f: {  	lr =	sadd.s32 s0, s3;
	s0 =	sld [smem:$0x3FA2]  }
0x30: {  	s3 =	sld [smem:$0x3FA5]  }
0x31: {  	[smem:$0x3FAE] =	sst s10  }
0x32: {  	s10 =	sld [smem:$0x3FAC];
	_ =	sdelay $0x3  }
0x33: {  	p0 =	seq.s32 s10, $0x1;
	s10 =	sld [smem:$0x3FAE];
	_ =	sdelay $0x3  }
0x34: {  	[smem:$0x3FAE] =	sst s10  }
0x35: {  	s10 =	sld [smem:$0x3FAD];
	_ =	sdelay $0x3  }
0x36: {  	p1 =	seq.s32 s10, $0x1;
	s10 =	sld [smem:$0x3FAE];
	_ =	sdelay $0x3  }
0x37: {  	[smem:$0x3FAE] =	sst s10  }
0x38: {  	s10 =	sld [smem:$0x3FAF]  }
0x39: {  	_ = 	snop;
	(pc) =	sbr.ind lr, $3  }
0x3a: {  	_ = 	snop  }
0x3b: {  	_ = 	snop  }
0x3c: {  	p2 =	seq.s32 s10, $0x1;
	s10 =	sld [smem:$0x3FAE]  }
0x3d: {  	_ =	shalt  }
0x3e: {  	_ =	shalt  }
0x3f: {  	_ =	shalt  }
0x40: {  	_ =	shalt  }
0x41: {  	_ =	shalt  }
0x42: {  	_ =	shalt  }
0x43: {  	_ =	shalt  }
0x44: {  	_ =	shalt  }
0x45: {  	_ =	shalt  }
0x46: {  	_ =	shalt  }
0x47: {  	_ =	shalt  }
0x48: {  	_ =	shalt  }
0x49: {  	_ =	shalt  }
0x4a: {  	_ =	shalt  }
0x4b: {  	_ =	shalt  }
0x4c: {  	_ =	shalt  }
0x4d: {  	_ =	shalt  }
0x4e: {  	_ =	shalt  }
0x4f: {  	_ =	shalt  }
0x50: {  	_ =	shalt  }
0x51: {  	_ =	shalt  }
0x52: {  	_ =	shalt  }
0x53: {  	_ =	shalt  }
0x54: {  	_ =	shalt  }
0x55: {  	_ =	shalt  }
0x56: {  	_ =	shalt  }
0x57: {  	_ =	shalt  }
0x58: {  	_ =	shalt  }
0x59: {  	_ =	shalt  }
0x5a: {  	_ =	shalt  }
0x5b: {  	_ =	shalt  }
0x5c: {  	_ =	shalt  }
0x5d: {  	_ =	shalt  }
0x5e: {  	_ =	shalt  }
0x5f: {  	_ =	shalt  }
0x60: {  	_ =	shalt  }
0x61: {  	_ =	shalt  }
0x62: {  	_ =	shalt  }
0x63: {  	_ =	shalt  }
0x64: {  	_ =	shalt  }
0x65: {  	_ =	shalt  }
0x66: {  	_ =	shalt  }
0x67: {  	_ =	shalt  }
0x68: {  	_ =	shalt  }
0x69: {  	_ =	shalt  }
0x6a: {  	_ =	shalt  }
0x6b: {  	_ =	shalt  }
0x6c: {  	_ =	shalt  }
0x6d: {  	_ =	shalt  }
0x6e: {  	_ =	shalt  }
0x6f: {  	_ =	shalt  }
0x70: {  	_ =	shalt  }
0x71: {  	_ =	shalt  }
0x72: {  	_ =	shalt  }
0x73: {  	_ =	shalt  }
0x74: {  	_ =	shalt  }
0x75: {  	_ =	shalt  }
0x76: {  	_ =	shalt  }
0x77: {  	_ =	shalt  }
0x78: {  	_ =	shalt  }
0x79: {  	_ =	shalt  }
0x7a: {  	_ =	shalt  }
0x7b: {  	_ =	shalt  }
0x7c: {  	_ =	shalt  }
0x7d: {  	_ =	shalt  }
0x7e: {  	_ =	shalt  }
0x7f: {  	_ =	shalt  }
0x80: {  	_ =	shalt  }
0x81: {  	_ =	shalt  }
0x82: {  	_ =	shalt  }
0x83: {  	_ =	shalt  }
0x84: {  	_ =	shalt  }
0x85: {  	_ =	shalt  }
0x86: {  	_ =	shalt  }
0x87: {  	_ =	shalt  }
.Lfunc_end0:
.L_simem_size_0:
called_computation.1_lowered:
.L_overlay_start_0:
0x88: {  	s2 =	sld [smem:$0x3FD9]  }
0x89: {  	s3 =	sld [smem:$0x3FFE];
	_ =	sdelay $0x1  }
0x8a: {  	s1 =	srdreg.scid  }
0x8b: {  	s0 =	sand.u32 $0x1, s1  }
0x8c: {  	s16 =	sshll.u32 s0, $0xA;
	s2 =	sadd.s32 s3, s2  }
0x8d: {  	s2 =	sadd.s32 s2, s16  }
0x8e: {  	[smem:$0x3FBA] =	sst s2  }
0x8f: {  	_ = 	snop  }
0x90: {  	(tm) =	ssettm $0x1  }
0x91: {  	s17 =	sld [smem:$0x3FFB];
	_ =	sdelay $0x3  }
0x92: {  	_ =	strace s17  }
0x93: {  	s2 =	sld [smem:$0x3FFC];
	_ =	sdelay $0x3  }
0x94: {  	_ =	strace s2  }
0x95: {  	s2 =	sld [smem:$0x3FFD];
	_ =	sdelay $0x3  }
0x96: {  	_ =	strace s2  }
0x97: {  	_ =	strace $0x8FFFFFFF  }
0x98: {  	s18 =	sld [smem:$0x3FDB];
	_ =	sdelay $0x1  }
0x99: {  	s19 =	simm.s32 $_scs_section_size  }
0x9a: {  	s4 =	simm.s32 $_size__tile_overlayer_lowered;
	s5 =	simm.s32 $_tile_overlayer_lowered  }
0x9b: {  	s22 =	simm.s32 $0x1BFF;
	s21 =	sshll.u32 s5, $0x1;
	s2 =	sadd.s32 s19, s18  }
0x9c: {  	s6 =	simm.s32 $0x0;
	s20 =	sshll.u32 s4, $0x1;
	s4 =	sadd.s32 s21, s2  }
0x9d: {  	[timem:s6], [sflag:s22] =	dma.local [hbm:s4], s20  }
0x9e: {  	_ =	swait.ge [sflag:s22], s20  }
0x9f: {  	s3 =	ssub.s32 $0x0, s20;
	[sflag:s22] =	ssyncset.done $0x0  }
0xa0: {  	[sflag:s22] =	ssyncadd.s32 s3;
	_ =	sdelay $0x1  }
0xa1: {  	s23 =	simm.s32 $0x1B8B  }
0xa2: {  	_ =	swait.ge [sflag:s23], $0x1  }
0xa3: {  	[sflag:s23] =	ssyncset.done $0x0  }
0xa4: {  	s25 =	simm.s32 $0x1B8E;
	s24 =	sld [smem:$0x3FFE];
	[sflag:s23] =	ssyncadd.s32 $0xFFFFFFFF  }
0xa5: {  	s26 =	simm.s32 $execute0_lowered;
	[smem:$0x3FD2] =	sst s25  }
0xa6: {  	s4 =	sshll.u32 s26, $0x1;
	_ =	strace $0x80000049;
	[dreg:$0x1] =	wrdreg $0xFFFFFFFF  }
0xa7: {  	s28 =	simm.s32 $_size_execute0_lowered;
	s2 =	sadd.s32 s2, s4;
	[dreg:$0x0] =	wrdreg $0x0  }
0xa8: {  	s4 =	sshll.u32 s28, $0x1;
	[dreg:$0x2] =	wrdreg s2  }
0xa9: {  	[dreg:$0x3] =	wrdreg s4  }
0xaa: {  	[dreg:$0x4] =	wrdreg $0xC0  }
0xab: {  	_ =	task [dreg:s6], $0x5FFFF  }
0xac: {  	[dreg:$0x1] =	wrdreg $0xFFFFFFFF  }
0xad: {  	[dreg:$0x0] =	wrdreg $0x60  }
0xae: {  	[dreg:$0x2] =	wrdreg s24  }
0xaf: {  	[dreg:$0x3] =	wrdreg $0xA8000  }
0xb0: {  	[dreg:$0x4] =	wrdreg $0x9  }
0xb1: {  	_ =	task.clear_ibuf [dreg:s6], $0x5FFFF;
	_ =	strace $0x90000049  }
0xb2: {  	s29 =	simm.s32 $0x9;
	_ =	strace $0x8000004B  }
0xb3: {  	_ =	swait.ge [sflag:s29], $0x1  }
0xb4: {  	[sflag:s29] =	ssyncadd.s32 $0xFFFFFFFF  }
0xb5: {  	_ =	strace $0x9000004B  }
0xb6: {  	_ =	sfence  }
0xb7: {  	s30 =	sld [smem:$0x0];
	_ =	sdelay $0x2  }
0xb8: {  	s31 =	sshll.u32 s1, $0xD;
	s1 =	sshrl.u32 s1, $0x2  }
0xb9: {  	s3 =	sand.u32 $0x4000, s31;
	s1 =	sadd.s32 s1, s30  }
0xba: {  	s0 =	sor.u32 s3, s0;
	s1 =	sshll.u32 s1, $0x11  }
0xbb: {  	s0 =	sor.u32 s1, s0  }
0xbc: {  	s0 =	sadd.s32 $0x8F2B, s0  }
0xbd: {  	[sflag:s0] =	ssyncadd.remote.s32 $0x1  }
0xbe: {  	_ =	sfence.sel $0xFFFF  }
0xbf: {  	[dreg:$0x0] =	wrdreg $0xFFFFFFFF;
	(pc) =	sbr.abs _section_cstart, $3  }
0xc0: {  	[dreg:$0x1] =	wrdreg $0xFFFFFFFF  }
0xc1: {  	_ =	task.clear_ibuf [dreg:s6], $0x2FFFF;
	_ =	strace $0x9FFFFFFF  }
0xc2: {  	(tm) =	ssettm $0x7FFFFFFF  }
0xc3: {  	_ =	shalt  }
tec
execute0_lowered:
.L_overlay_start_1:
0x0: {  	(tag) =	ssettag $0x1  }
0x1: {  	s12 =	rddreg [dreg:$0x0];
	s0 =	srdreg.scid  }
0x2: {  	s2 =	rddreg [dreg:$0x1];
	s1 =	stileid.u32;
	s3 =	simm.s32 $0x0  }
0x3: {  	s15 =	simm.s32 $0x2800;
	s16 =	simm.s32 $0x3;
	s17 =	simm.s32 $0x1400  }
0x4: {  	s18 =	simm.s32 $0x80;
	s19 =	simm.s32 $0x6800;
	s20 =	simm.s32 $0x1  }
0x5: {  	s21 =	simm.s32 $0x2;
	s22 =	simm.s32 $0x2600;
	s23 =	simm.s32 $0x1300  }
0x6: {  	s24 =	simm.s32 $0x2680;
	s25 =	simm.s32 $0x1380;
	s5 =	smul.u32 $0x14000, s1  }
0x7: {  	s26 =	simm.s32 $0x2700;
	s6 =	sand.u32 $0x1, s0;
	s8 =	smul.u32 $0x50000, s1  }
0x8: {  	s28 =	simm.s32 $0x2780;
	[smem:$0x7FF] =	sst s3;
	s4 =	smul.u32 $0x140000, s6  }
0x9: {  	_ =	strace $0x8000004A;
	s31 =	ssub.s32 $0x2, s6;
	s6 =	sshll.u32 s6, $0x4  }
0xa: {  	s9 =	sshrl.u32 s31, $0x1;
	s8 =	sshrl.u32 s8, $0x2;
	s11 =	sor.u32 s1, s6  }
0xb: {  	s5 =	sadd.s32 s5, s4;
	s4 =	sadd.s32 $0x3C00, s12;
	s14 =	ssub.s32 s31, s9  }
0xc: {  	s6 =	sadd.s32 s8, s2;
	s11 =	smul.u32 $0x50, s11;
	s7 =	sshrl.u32 s5, $0x3  }
0xd: {  	s5 =	sadd.s32 $0x67C00, s12;
	s8 =	sadd.s32 $0x8000, s6;
	s9 =	sadd.s32 $0xC000, s6  }
0xe: {  	s10 =	sadd.s32 $0x10000, s6;
	s14 =	smax.u32 s14, $0x1;
	s13 =	sadd.s32 s7, s12  }
0xf: {  	v0 =	vimm.f32 $0.0e+00;
	s7 =	sadd.s32 $0x4000, s6;
	s12 =	sadd.s32 $0xDC00, s12;
	s13 =	sadd.s32 $0x8EE00, s13  }
.LBB2_1:
0x10: {  	s29 =	simm.s32 $0x0;
	s30 =	simm.s32 $0x200  }
.LBB2_2:
0x11: {  	p0 =	sne.s32 s30, $0xFE00;
	[tilespmem:s29+$0x2870] =	vst v0  }
0x12: {  	[tilespmem:s29+$0x2800] =	vst v0  }
0x13: {  	[tilespmem:s29+$0x2810] =	vst v0  }
.Ltmp0:
0x14: {  	[tilespmem:s29+$0x2820] =	vst v0;
	(pc) =	sbr.rel @p0 .LBB2_2-.Ltmp0, $4  }
0x15: {  	[tilespmem:s29+$0x2830] =	vst v0  }
0x16: {  	[tilespmem:s29+$0x2840] =	vst v0  }
0x17: {  	[tilespmem:s29+$0x2850] =	vst v0  }
0x18: {  	[tilespmem:s29+$0x2860] =	vst v0;
	s29 =	sshra.s32 s30, $0x2;
	s30 =	sadd.s32 $0x200, s30  }
0x19: {  	[tilespmem:s29+$0x2870] =	vst v0  }
0x1a: {  	[tilespmem:s29+$0x2800] =	vst v0  }
0x1b: {  	[tilespmem:s29+$0x2810] =	vst v0  }
0x1c: {  	[tilespmem:s29+$0x2820] =	vst v0  }
0x1d: {  	[tilespmem:s29+$0x2830] =	vst v0  }
0x1e: {  	[tilespmem:s29+$0x2840] =	vst v0  }
0x1f: {  	[tilespmem:s29+$0x2850] =	vst v0  }
0x20: {  	[tilespmem:s29+$0x2860] =	vst v0  }
0x21: {  	[spmem:s6] =	stream.linear.scatter [tilespmem:s15], [sflag:$0x3], $0x4000, $0x38;
	[tilespmem:$0x1E800] =	vst v63  }
0x22: {  	_ =	swait.ge [sflag:s16], $0x4000  }
0x23: {  	[sflag:s16] =	ssyncset.done $0x0  }
0x24: {  	[sflag:s16] =	ssyncadd.s32 $0xFFFFC000  }
0x25: {  	[spmem:s7] =	stream.linear.scatter [tilespmem:s15], [sflag:$0x3], $0x4000, $0x38;
	[tilespmem:$0x1E800] =	vst v63  }
0x26: {  	_ =	swait.ge [sflag:s16], $0x4000  }
0x27: {  	[sflag:s16] =	ssyncset.done $0x0  }
0x28: {  	[sflag:s16] =	ssyncadd.s32 $0xFFFFC000  }
0x29: {  	[spmem:s8] =	stream.linear.scatter [tilespmem:s15], [sflag:$0x3], $0x4000, $0x38;
	[tilespmem:$0x1E800] =	vst v63  }
0x2a: {  	_ =	swait.ge [sflag:s16], $0x4000  }
0x2b: {  	[sflag:s16] =	ssyncset.done $0x0  }
0x2c: {  	[sflag:s16] =	ssyncadd.s32 $0xFFFFC000  }
0x2d: {  	[spmem:s9] =	stream.linear.scatter [tilespmem:s15], [sflag:$0x3], $0x4000, $0x38;
	[tilespmem:$0x1E800] =	vst v63  }
0x2e: {  	_ =	swait.ge [sflag:s16], $0x4000  }
0x2f: {  	[sflag:s16] =	ssyncset.done $0x0  }
0x30: {  	[sflag:s16] =	ssyncadd.s32 $0xFFFFC000  }
0x31: {  	[spmem:s10] =	stream.linear.scatter [tilespmem:s15], [sflag:$0x3], $0x4000, $0x38;
	[tilespmem:$0x1E800] =	vst v63  }
0x32: {  	_ =	swait.ge [sflag:s16], $0x4000  }
0x33: {  	[sflag:s16] =	ssyncset.done $0x0  }
0x34: {  	s29 =	simm.s32 $0x0;
	[sflag:s16] =	ssyncadd.s32 $0xFFFFC000  }
0x35: {  	p1 =	por $0x1, $0x1;
	s30 =	simm.s32 $0x0;
	[bflag:$0x0] =	sbarrier.arrive $0xFFFF  }
.LBB2_4:
0x36: {  	s30 =	sadd.s32 s11, s30  }
0x37: {  	s30 =	sshll.u32 s30, $0x4  }
0x38: {  	s31 =	sadd.s32 s4, s30  }
0x39: {  	[tilespmem:s29], [sflag:$0x3] =	stream.linear.gather [hbm4b:s31+s29], $0x1400, $0x38;
	[tilespmem:$0x1E800] =	vst v63  }
0x3a: {  	_ =	swait.ge [sflag:s16], $0x1400  }
0x3b: {  	[sflag:s16] =	ssyncset.done $0x0  }
0x3c: {  	s30 =	sadd.s32 s30, s12;
	[sflag:s16] =	ssyncadd.s32 $0xFFFFEC00  }
0x3d: {  	[tilespmem:s17], [sflag:$0x3] =	stream.linear.gather [hbm4b:s30+s29], $0x1400, $0x38;
	[tilespmem:$0x1E800] =	vst v63  }
0x3e: {  	_ =	swait.ge [sflag:s16], $0x1400  }
0x3f: {  	[sflag:s16] =	ssyncset.done $0x0  }
0x40: {  	[sflag:s16] =	ssyncadd.s32 $0xFFFFEC00  }
0x41: {  	[tilespmem:s15], [sflag:$0x1] =	stream.indirect.gather [hbm4b:s5+s18], $0x80, s29, s18, $0xb8;
	[tilespmem:$0x1E800] =	vst v63  }
0x42: {  	_ = 	snop  }
0x43: {  	[tilespmem:s19], [sflag:$0x2] =	stream.indirect.gather [hbm4b:s5+s18], $0x80, s18, s18, $0xb8;
	[tilespmem:$0x1E800] =	vst v63  }
0x44: {  	_ =	swait.ge [sflag:s20], $0x4000  }
0x45: {  	[sflag:s20] =	ssyncset.done $0x0  }
0x46: {  	s30 =	simm.s32 $0x1400;
	[sflag:s20] =	ssyncadd.s32 $0xFFFFC000  }
0x47: {  	[spmem:s2] =	stream.indirect.scatter.add.f32 [tilespmem:s15], [sflag:$0x3], $0x80, s30, s18, $0xb8;
	[tilespmem:$0x1E800] =	vst v63  }
0x48: {  	_ =	swait.ge [sflag:s16], $0x4000  }
0x49: {  	[sflag:s16] =	ssyncset.done $0x0  }
0x4a: {  	s30 =	simm.s32 $0x100;
	[sflag:s16] =	ssyncadd.s32 $0xFFFFC000  }
0x4b: {  	[tilespmem:s15], [sflag:$0x1] =	stream.indirect.gather [hbm4b:s5+s18], $0x80, s30, s18, $0xb8;
	[tilespmem:$0x1E800] =	vst v63  }
0x4c: {  	_ =	swait.ge [sflag:s21], $0x4000  }
0x4d: {  	[sflag:s21] =	ssyncset.done $0x0  }
0x4e: {  	s30 =	simm.s32 $0x1480;
	[sflag:s21] =	ssyncadd.s32 $0xFFFFC000  }
0x4f: {  	[spmem:s2] =	stream.indirect.scatter.add.f32 [tilespmem:s19], [sflag:$0x3], $0x80, s30, s18, $0xb8;
	[tilespmem:$0x1E800] =	vst v63  }
0x50: {  	_ =	swait.ge [sflag:s16], $0x4000  }
0x51: {  	p0 =	por p1, p1;
	[sflag:s16] =	ssyncset.done $0x0  }
0x52: {  	s31 =	simm.s32 $0x180;
	s30 =	simm.s32 $0x400;
	[sflag:s16] =	ssyncadd.s32 $0xFFFFC000  }
.LBB2_5:
0x53: {  	[tilespmem:s19], [sflag:$0x2] =	stream.indirect.gather [hbm4b:s5+s18], $0x80, s31, s18, $0xb8;
	[tilespmem:$0x1E800] =	vst v63  }
0x54: {  	s31 =	smov.u32 s30  }
0x55: {  	p1 =	sne.s32 s30, $0x4400;
	s30 =	sadd.s32 $0x400, s30;
	_ =	swait.ge [sflag:s20], $0x4000  }
0x56: {  	s31 =	sshra.s32 s31, $0x2;
	[sflag:s20] =	ssyncset.done $0x0  }
0x57: {  	s0 =	sadd.s32 $0x1400, s31;
	[sflag:s20] =	ssyncadd.s32 $0xFFFFC000  }
0x58: {  	[spmem:s2] =	stream.indirect.scatter.add.f32 [tilespmem:s15], [sflag:$0x3], $0x80, s0, s18, $0xb8;
	[tilespmem:$0x1E800] =	vst v63  }
0x59: {  	_ =	swait.ge [sflag:s16], $0x4000  }
0x5a: {  	[sflag:s16] =	ssyncset.done $0x0  }
0x5b: {  	s0 =	sadd.s32 $0x100, s31;
	[sflag:s16] =	ssyncadd.s32 $0xFFFFC000  }
0x5c: {  	[tilespmem:s15], [sflag:$0x1] =	stream.indirect.gather [hbm4b:s5+s18], $0x80, s0, s18, $0xb8;
	[tilespmem:$0x1E800] =	vst v63  }
0x5d: {  	_ =	swait.ge [sflag:s21], $0x4000  }
0x5e: {  	[sflag:s21] =	ssyncset.done $0x0  }
.Ltmp1:
0x5f: {  	s0 =	sadd.s32 $0x1480, s31;
	[sflag:s21] =	ssyncadd.s32 $0xFFFFC000;
	(pc) =	sbr.rel @p1 .LBB2_5-.Ltmp1, $4  }
0x60: {  	[spmem:s2] =	stream.indirect.scatter.add.f32 [tilespmem:s19], [sflag:$0x3], $0x80, s0, s18, $0xb8;
	[tilespmem:$0x1E800] =	vst v63  }
0x61: {  	_ =	swait.ge [sflag:s16], $0x4000  }
0x62: {  	[sflag:s16] =	ssyncset.done $0x0  }
0x63: {  	s31 =	sadd.s32 $0x180, s31;
	[sflag:s16] =	ssyncadd.s32 $0xFFFFC000  }
0x64: {  	[tilespmem:s19], [sflag:$0x2] =	stream.indirect.gather [hbm4b:s5+s18], $0x80, s31, s18, $0xb8;
	[tilespmem:$0x1E800] =	vst v63  }
0x65: {  	_ =	swait.ge [sflag:s20], $0x4000  }
0x66: {  	[sflag:s20] =	ssyncset.done $0x0  }
0x67: {  	[sflag:s20] =	ssyncadd.s32 $0xFFFFC000  }
0x68: {  	[spmem:s2] =	stream.indirect.scatter.add.f32 [tilespmem:s15], [sflag:$0x3], $0x80, s22, s18, $0xb8;
	[tilespmem:$0x1E800] =	vst v63  }
0x69: {  	_ =	swait.ge [sflag:s16], $0x4000  }
0x6a: {  	[sflag:s16] =	ssyncset.done $0x0  }
0x6b: {  	[sflag:s16] =	ssyncadd.s32 $0xFFFFC000  }
0x6c: {  	[tilespmem:s15], [sflag:$0x1] =	stream.indirect.gather [hbm4b:s5+s18], $0x80, s23, s18, $0xb8;
	[tilespmem:$0x1E800] =	vst v63  }
0x6d: {  	_ =	swait.ge [sflag:s21], $0x4000  }
0x6e: {  	[sflag:s21] =	ssyncset.done $0x0  }
0x6f: {  	[sflag:s21] =	ssyncadd.s32 $0xFFFFC000  }
0x70: {  	[spmem:s2] =	stream.indirect.scatter.add.f32 [tilespmem:s19], [sflag:$0x3], $0x80, s24, s18, $0xb8;
	[tilespmem:$0x1E800] =	vst v63  }
0x71: {  	_ =	swait.ge [sflag:s16], $0x4000  }
0x72: {  	[sflag:s16] =	ssyncset.done $0x0  }
0x73: {  	[sflag:s16] =	ssyncadd.s32 $0xFFFFC000  }
0x74: {  	[tilespmem:s19], [sflag:$0x2] =	stream.indirect.gather [hbm4b:s5+s18], $0x80, s25, s18, $0xb8;
	[tilespmem:$0x1E800] =	vst v63  }
0x75: {  	_ =	swait.ge [sflag:s20], $0x4000  }
0x76: {  	[sflag:s20] =	ssyncset.done $0x0  }
0x77: {  	[sflag:s20] =	ssyncadd.s32 $0xFFFFC000  }
0x78: {  	[spmem:s2] =	stream.indirect.scatter.add.f32 [tilespmem:s15], [sflag:$0x3], $0x80, s26, s18, $0xb8;
	[tilespmem:$0x1E800] =	vst v63  }
0x79: {  	_ =	swait.ge [sflag:s16], $0x4000  }
0x7a: {  	[sflag:s16] =	ssyncset.done $0x0  }
0x7b: {  	[sflag:s16] =	ssyncadd.s32 $0xFFFFC000  }
0x7c: {  	[tilespmem:s15], [sflag:$0x1] =	stream.indirect.gather [hbm4b:s5+s18], $0x80, s25, s18, $0xb8;
	[tilespmem:$0x1E800] =	vst v63  }
0x7d: {  	_ =	swait.ge [sflag:s21], $0x4000  }
0x7e: {  	[sflag:s21] =	ssyncset.done $0x0  }
0x7f: {  	[sflag:s21] =	ssyncadd.s32 $0xFFFFC000  }
0x80: {  	[spmem:s2] =	stream.indirect.scatter.add.f32 [tilespmem:s19], [sflag:$0x3], $0x80, s28, s18, $0xb8;
	[tilespmem:$0x1E800] =	vst v63  }
0x81: {  	_ =	swait.ge [sflag:s16], $0x4000  }
0x82: {  	[sflag:s16] =	ssyncset.done $0x0  }
0x83: {  	[sflag:s16] =	ssyncadd.s32 $0xFFFFC000  }
0x84: {  	[tilespmem:s19], [sflag:$0x2] =	stream.indirect.gather [hbm4b:s5+s18], $0x80, s25, s18, $0xb8;
	[tilespmem:$0x1E800] =	vst v63  }
0x85: {  	_ =	swait.ge [sflag:s20], $0x4000  }
.Ltmp2:
0x86: {  	[sflag:s20] =	ssyncset.done $0x0;
	(pc) =	sbr.rel @p0 .LBB2_4-.Ltmp2, $4  }
0x87: {  	[sflag:s20] =	ssyncadd.s32 $0xFFFFC000  }
0x88: {  	_ =	swait.ge [sflag:s21], $0x4000  }
0x89: {  	[sflag:s21] =	ssyncset.done $0x0  }
0x8a: {  	s30 =	simm.s32 $0x28;
	p1 =	por $0x0, $0x0;
	[sflag:s21] =	ssyncadd.s32 $0xFFFFC000  }
0x8b: {  	s3 =	sadd.s32 $0x1, s3  }
0x8c: {  	s0 =	sshll.u32 s1, $0x6;
	[bflag:$0x0] =	sbarrier.arrive $0xFFFF;
	p0 =	sne.s32 s3, s14  }
.Ltmp3:
0x8d: {  	s29 =	sshrl.u32 s6, $0x3;
	s0 =	sor.u32 $0x1C03, s0;
	(pc) =	sbr.rel @p0 .LBB2_1-.Ltmp3, $4  }
0x8e: {  	[hbm:s13], [sflag:s0] =	dma.local [spmem:s29], $0x2800  }
0x8f: {  	_ =	swait.ge [sflag:s16], $0x2800  }
0x90: {  	[sflag:s16] =	ssyncset.done $0x0  }
0x91: {  	[sflag:s16] =	ssyncadd.s32 $0xFFFFD800  }
0x92: {  	_ =	sfence.sel $0x180000  }
0x93: {  	[bflag:$0x0] =	sbarrier.arrive $0xFFFF  }
0x94: {  	_ =	strace $0x9000004A  }
0x95: {  	[bflag:$0x2] =	sbarrier.arrive $0xFFFF  }
0x96: {  	p0 =	sne.s32 s1, $0x0;
	s0 =	rddreg [dreg:$0x2]  }
0x97: {  	s0 =	sadd.s32 @!p0 $0x100000, s0  }
0x98: {  	[sflag:s0] =	ssyncadd.tile.s32 @!p0 $0x1;
	_ =	shalt  }
.Lfunc_end2:
_tile_overlayer_lowered:
.L_overlay_start_2:
0x99: {  	(tag) =	ssettag $0x2  }
0x9a: {  	s0 =	rddreg [dreg:$0x0];
	s2 =	stileid.u32  }
0x9b: {  	s1 =	rddreg [dreg:$0x1];
	p0 =	sne.s32 s2, $0x0  }
0x9c: {  	s3 =	rddreg [dreg:$0x2];
	[bflag:$0x3] =	sbarrier.arrive $0xFFFF;
	s2 =	simm.s32 @!p0 $0x1C03  }
0x9d: {  	[timem:s3], [sflag:s2] =	dma.local @!p0 [hbm:s0], s1  }
0x9e: {  	s0 =	simm.s32 @!p0 $0x3  }
0x9f: {  	_ =	swait.ge @!p0 [sflag:s0], s1  }
0xa0: {  	s1 =	ssub.s32 @!p0 $0x0, s1;
	[sflag:s0] =	ssyncset.done @!p0 $0x0  }
0xa1: {  	[sflag:s0] =	ssyncadd.s32 @!p0 s1  }
0xa2: {  	[bflag:$0x3] =	sbarrier.arrive $0xFFFF  }
0xa3: {  	_ =	shalt  }

// kernel: kernel.14.cloned.1.call-start
scs
__scs_entry_jumppad:
0x0: {  	(pc) =	sbr.rel $0x88, $3  }
0x1: {  	(tag) =	ssettag $0x0;
	lr =	simm.s32 $0x1  }
0x2: {  	[smem:$0x3F93] =	sst lr;
	_ =	strace $0xD0000000  }
0x3: {  	_ = 	snop  }
0x4: {  	_ = 	snop  }
0x5: {  	_ = 	snop  }
0x6: {  	_ = 	snop  }
0x7: {  	_ = 	snop  }
__scs_overlays_trampoline_lowered:
0x8: {  	[smem:$0x3FA2] =	sst s0  }
0x9: {  	[smem:$0x3FA3] =	sst s1  }
0xa: {  	[smem:$0x3FA4] =	sst s2  }
0xb: {  	[smem:$0x3FA5] =	sst s3  }
0xc: {  	[smem:$0x3FA6] =	sst s4  }
0xd: {  	[smem:$0x3FA7] =	sst s5  }
0xe: {  	[smem:$0x3FA8] =	sst s6  }
0xf: {  	[smem:$0x3FA9] =	sst s7  }
0x10: {  	[smem:$0x3FAA] =	sst s8  }
0x11: {  	[smem:$0x3FAB] =	sst s9;
	s0 =	simm.s32 @!p0 $0x0  }
0x12: {  	s1 =	sld [smem:$0x3F91];
	s0 =	simm.s32 @p0 $0x1  }
0x13: {  	[smem:$0x3FAC] =	sst s0;
	s0 =	simm.s32 @!p1 $0x0  }
0x14: {  	s2 =	sld [smem:$0x3F90];
	s0 =	simm.s32 @p1 $0x1  }
0x15: {  	[smem:$0x3FAD] =	sst s0;
	s0 =	simm.s32 @!p2 $0x0  }
0x16: {  	s3 =	sld [smem:$0x3FDB];
	s0 =	simm.s32 @p2 $0x1  }
0x17: {  	s4 =	simm.s32 $0x1BF5;
	[smem:$0x3FAF] =	sst s0  }
0x18: {  	s0 =	sld [smem:$0x3F92];
	_ =	swait.ge [sflag:s4], $0x0  }
0x19: {  	s7 =	sld [smem:$0x3F93]  }
0x1a: {  	s8 =	sadd.s32 $0xFFFFE003, lr  }
0x1b: {  	s9 =	sadd.s32 $0xFFFFFEF7, lr;
	s5 =	simm.s32 $0xFFFFFFFF;
	p2 =	slt.u32 s8, $0xFFFFF086  }
0x1c: {  	p1 =	slt.u32 s9, $0xF7A;
	s5 =	simm.s32 @!p2 $0x0  }
0x1d: {  	s5 =	simm.s32 @p1 $0x1;
	p0 =	seq.s32 s7, s2  }
0x1e: {  	s7 =	smul.u32 @!p0 $0xF7A, s2;
	p2 =	seq.s32 @!p0 s5, $0x0  }
0x1f: {  	s9 =	smul.u32 $0xF7A, s1;
	s8 =	simm.s32 @!p0 $0x1BF5;
	p2 =	por !p2, p0  }
0x20: {  	[sflag:s8] =	ssyncset.s32 @!p0 $0xFFFFF086;
	s6 =	sadd.s32 @!p0 s3, s7;
	s7 =	simm.s32 @!p0 $0x108  }
0x21: {  	s3 =	sadd.s32 s3, s9;
	s6 =	sadd.s32 @!p0 $0x88, s6;
	s7 =	simm.s32 @p2 $0x1082  }
0x22: {  	[simem:s7], [sflag:s8] =	dma.local @!p0 [hbm:s6], $0xF7A  }
0x23: {  	s9 =	sor.u32 $0xD0000000, s2;
	s6 =	simm.s32 $0x108;
	_ =	swait.ge @!p0 [sflag:s8], $0x0  }
0x24: {  	s3 =	sadd.s32 $0x88, s3;
	s6 =	simm.s32 @!p1 $0x1082;
	[sflag:s4] =	ssyncset.s32 $0xFFFFF086  }
0x25: {  	[simem:s6], [sflag:s4] =	dma.local [hbm:s3], $0xF7A  }
0x26: {  	[smem:$0x3F93] =	sst s1;
	(tag) =	ssettag s2;
	_ =	strace s9  }
0x27: {  	s1 =	sld [smem:$0x3FA3]  }
0x28: {  	s2 =	sld [smem:$0x3FA4]  }
0x29: {  	s4 =	sld [smem:$0x3FA6]  }
0x2a: {  	p0 =	seq.s32 s5, $0x0;
	s5 =	sld [smem:$0x3FA7]  }
0x2b: {  	s6 =	sld [smem:$0x3FA8]  }
0x2c: {  	s7 =	sld [smem:$0x3FA9]  }
0x2d: {  	s3 =	simm.s32 $0x108;
	s8 =	sld [smem:$0x3FAA]  }
0x2e: {  	s3 =	simm.s32 @!p0 $0x1082;
	s9 =	sld [smem:$0x3FAB]  }
0x2f: {  	lr =	sadd.s32 s0, s3;
	s0 =	sld [smem:$0x3FA2]  }
0x30: {  	s3 =	sld [smem:$0x3FA5]  }
0x31: {  	[smem:$0x3FAE] =	sst s10  }
0x32: {  	s10 =	sld [smem:$0x3FAC];
	_ =	sdelay $0x3  }
0x33: {  	p0 =	seq.s32 s10, $0x1;
	s10 =	sld [smem:$0x3FAE];
	_ =	sdelay $0x3  }
0x34: {  	[smem:$0x3FAE] =	sst s10  }
0x35: {  	s10 =	sld [smem:$0x3FAD];
	_ =	sdelay $0x3  }
0x36: {  	p1 =	seq.s32 s10, $0x1;
	s10 =	sld [smem:$0x3FAE];
	_ =	sdelay $0x3  }
0x37: {  	[smem:$0x3FAE] =	sst s10  }
0x38: {  	s10 =	sld [smem:$0x3FAF]  }
0x39: {  	_ = 	snop;
	(pc) =	sbr.ind lr, $3  }
0x3a: {  	_ = 	snop  }
0x3b: {  	_ = 	snop  }
0x3c: {  	p2 =	seq.s32 s10, $0x1;
	s10 =	sld [smem:$0x3FAE]  }
0x3d: {  	_ =	shalt  }
0x3e: {  	_ =	shalt  }
0x3f: {  	_ =	shalt  }
0x40: {  	_ =	shalt  }
0x41: {  	_ =	shalt  }
0x42: {  	_ =	shalt  }
0x43: {  	_ =	shalt  }
0x44: {  	_ =	shalt  }
0x45: {  	_ =	shalt  }
0x46: {  	_ =	shalt  }
0x47: {  	_ =	shalt  }
0x48: {  	_ =	shalt  }
0x49: {  	_ =	shalt  }
0x4a: {  	_ =	shalt  }
0x4b: {  	_ =	shalt  }
0x4c: {  	_ =	shalt  }
0x4d: {  	_ =	shalt  }
0x4e: {  	_ =	shalt  }
0x4f: {  	_ =	shalt  }
0x50: {  	_ =	shalt  }
0x51: {  	_ =	shalt  }
0x52: {  	_ =	shalt  }
0x53: {  	_ =	shalt  }
0x54: {  	_ =	shalt  }
0x55: {  	_ =	shalt  }
0x56: {  	_ =	shalt  }
0x57: {  	_ =	shalt  }
0x58: {  	_ =	shalt  }
0x59: {  	_ =	shalt  }
0x5a: {  	_ =	shalt  }
0x5b: {  	_ =	shalt  }
0x5c: {  	_ =	shalt  }
0x5d: {  	_ =	shalt  }
0x5e: {  	_ =	shalt  }
0x5f: {  	_ =	shalt  }
0x60: {  	_ =	shalt  }
0x61: {  	_ =	shalt  }
0x62: {  	_ =	shalt  }
0x63: {  	_ =	shalt  }
0x64: {  	_ =	shalt  }
0x65: {  	_ =	shalt  }
0x66: {  	_ =	shalt  }
0x67: {  	_ =	shalt  }
0x68: {  	_ =	shalt  }
0x69: {  	_ =	shalt  }
0x6a: {  	_ =	shalt  }
0x6b: {  	_ =	shalt  }
0x6c: {  	_ =	shalt  }
0x6d: {  	_ =	shalt  }
0x6e: {  	_ =	shalt  }
0x6f: {  	_ =	shalt  }
0x70: {  	_ =	shalt  }
0x71: {  	_ =	shalt  }
0x72: {  	_ =	shalt  }
0x73: {  	_ =	shalt  }
0x74: {  	_ =	shalt  }
0x75: {  	_ =	shalt  }
0x76: {  	_ =	shalt  }
0x77: {  	_ =	shalt  }
0x78: {  	_ =	shalt  }
0x79: {  	_ =	shalt  }
0x7a: {  	_ =	shalt  }
0x7b: {  	_ =	shalt  }
0x7c: {  	_ =	shalt  }
0x7d: {  	_ =	shalt  }
0x7e: {  	_ =	shalt  }
0x7f: {  	_ =	shalt  }
0x80: {  	_ =	shalt  }
0x81: {  	_ =	shalt  }
0x82: {  	_ =	shalt  }
0x83: {  	_ =	shalt  }
0x84: {  	_ =	shalt  }
0x85: {  	_ =	shalt  }
0x86: {  	_ =	shalt  }
0x87: {  	_ =	shalt  }
.Lfunc_end0:
.L_simem_size_0:
called_computation.2_lowered:
.L_overlay_start_0:
0x88: {  	s2 =	sld [smem:$0x3FD9]  }
0x89: {  	s3 =	sld [smem:$0x3FFE];
	_ =	sdelay $0x1  }
0x8a: {  	s1 =	srdreg.scid  }
0x8b: {  	s0 =	sand.u32 $0x1, s1  }
0x8c: {  	s16 =	sshll.u32 s0, $0xA;
	s2 =	sadd.s32 s3, s2  }
0x8d: {  	s2 =	sadd.s32 s2, s16  }
0x8e: {  	[smem:$0x3FBA] =	sst s2  }
0x8f: {  	_ = 	snop  }
0x90: {  	(tm) =	ssettm $0x1  }
0x91: {  	s17 =	sld [smem:$0x3FFB];
	_ =	sdelay $0x3  }
0x92: {  	_ =	strace s17  }
0x93: {  	s2 =	sld [smem:$0x3FFC];
	_ =	sdelay $0x3  }
0x94: {  	_ =	strace s2  }
0x95: {  	s2 =	sld [smem:$0x3FFD];
	_ =	sdelay $0x3  }
0x96: {  	_ =	strace s2  }
0x97: {  	_ =	strace $0x8FFFFFFF  }
0x98: {  	s18 =	sld [smem:$0x3FDB];
	_ =	sdelay $0x1  }
0x99: {  	s19 =	simm.s32 $_scs_section_size  }
0x9a: {  	s4 =	simm.s32 $_size__tile_overlayer_lowered;
	s5 =	simm.s32 $_tile_overlayer_lowered  }
0x9b: {  	s22 =	simm.s32 $0x1BFF;
	s21 =	sshll.u32 s5, $0x1;
	s2 =	sadd.s32 s19, s18  }
0x9c: {  	s6 =	simm.s32 $0x0;
	s20 =	sshll.u32 s4, $0x1;
	s4 =	sadd.s32 s21, s2  }
0x9d: {  	[timem:s6], [sflag:s22] =	dma.local [hbm:s4], s20  }
0x9e: {  	_ =	swait.ge [sflag:s22], s20  }
0x9f: {  	s3 =	ssub.s32 $0x0, s20;
	[sflag:s22] =	ssyncset.done $0x0  }
0xa0: {  	[sflag:s22] =	ssyncadd.s32 s3;
	_ =	sdelay $0x1  }
0xa1: {  	s23 =	simm.s32 $0x1B8B  }
0xa2: {  	_ =	swait.ge [sflag:s23], $0x1  }
0xa3: {  	[sflag:s23] =	ssyncset.done $0x0  }
0xa4: {  	s25 =	simm.s32 $0x1B8E;
	s24 =	sld [smem:$0x3FFE];
	[sflag:s23] =	ssyncadd.s32 $0xFFFFFFFF  }
0xa5: {  	s26 =	simm.s32 $execute0_lowered;
	[smem:$0x3FD2] =	sst s25  }
0xa6: {  	s4 =	sshll.u32 s26, $0x1;
	_ =	strace $0x8000004C;
	[dreg:$0x1] =	wrdreg $0xFFFFFFFF  }
0xa7: {  	s28 =	simm.s32 $_size_execute0_lowered;
	s2 =	sadd.s32 s2, s4;
	[dreg:$0x0] =	wrdreg $0x0  }
0xa8: {  	s4 =	sshll.u32 s28, $0x1;
	[dreg:$0x2] =	wrdreg s2  }
0xa9: {  	[dreg:$0x3] =	wrdreg s4  }
0xaa: {  	[dreg:$0x4] =	wrdreg $0xC0  }
0xab: {  	_ =	task [dreg:s6], $0x5FFFF  }
0xac: {  	[dreg:$0x1] =	wrdreg $0xFFFFFFFF  }
0xad: {  	[dreg:$0x0] =	wrdreg $0x60  }
0xae: {  	[dreg:$0x2] =	wrdreg s24  }
0xaf: {  	[dreg:$0x3] =	wrdreg $0xA8000  }
0xb0: {  	[dreg:$0x4] =	wrdreg $0x9  }
0xb1: {  	_ =	task.clear_ibuf [dreg:s6], $0x5FFFF;
	_ =	strace $0x9000004C  }
0xb2: {  	s29 =	simm.s32 $0x9;
	_ =	strace $0x8000004E  }
0xb3: {  	_ =	swait.ge [sflag:s29], $0x1  }
0xb4: {  	[sflag:s29] =	ssyncadd.s32 $0xFFFFFFFF  }
0xb5: {  	_ =	strace $0x9000004E  }
0xb6: {  	_ =	sfence  }
0xb7: {  	s30 =	sld [smem:$0x0];
	_ =	sdelay $0x2  }
0xb8: {  	s31 =	sshll.u32 s1, $0xD;
	s1 =	sshrl.u32 s1, $0x2  }
0xb9: {  	s3 =	sand.u32 $0x4000, s31;
	s1 =	sadd.s32 s1, s30  }
0xba: {  	s0 =	sor.u32 s3, s0;
	s1 =	sshll.u32 s1, $0x11  }
0xbb: {  	s0 =	sor.u32 s1, s0  }
0xbc: {  	s0 =	sadd.s32 $0x8F2B, s0  }
0xbd: {  	[sflag:s0] =	ssyncadd.remote.s32 $0x1  }
0xbe: {  	_ =	sfence.sel $0xFFFF  }
0xbf: {  	[dreg:$0x0] =	wrdreg $0xFFFFFFFF;
	(pc) =	sbr.abs _section_cstart, $3  }
0xc0: {  	[dreg:$0x1] =	wrdreg $0xFFFFFFFF  }
0xc1: {  	_ =	task.clear_ibuf [dreg:s6], $0x2FFFF;
	_ =	strace $0x9FFFFFFF  }
0xc2: {  	(tm) =	ssettm $0x7FFFFFFF  }
0xc3: {  	_ =	shalt  }
tec
execute0_lowered:
.L_overlay_start_1:
0x0: {  	(tag) =	ssettag $0x1  }
0x1: {  	s12 =	rddreg [dreg:$0x0];
	s0 =	srdreg.scid  }
0x2: {  	s2 =	rddreg [dreg:$0x1];
	s1 =	stileid.u32;
	s3 =	simm.s32 $0x0  }
0x3: {  	s15 =	simm.s32 $0x2800;
	s16 =	simm.s32 $0x3;
	s17 =	simm.s32 $0x1400  }
0x4: {  	s18 =	simm.s32 $0x80;
	s19 =	simm.s32 $0x6800;
	s20 =	simm.s32 $0x1  }
0x5: {  	s21 =	simm.s32 $0x2;
	s22 =	simm.s32 $0x2600;
	s23 =	simm.s32 $0x1300  }
0x6: {  	s24 =	simm.s32 $0x2680;
	s25 =	simm.s32 $0x1380;
	s5 =	smul.u32 $0x14000, s1  }
0x7: {  	s26 =	simm.s32 $0x2700;
	s6 =	sand.u32 $0x1, s0;
	s8 =	smul.u32 $0x50000, s1  }
0x8: {  	s28 =	simm.s32 $0x2780;
	[smem:$0x7FF] =	sst s3;
	s4 =	smul.u32 $0x140000, s6  }
0x9: {  	_ =	strace $0x8000004D;
	s31 =	ssub.s32 $0x2, s6;
	s6 =	sshll.u32 s6, $0x4  }
0xa: {  	s9 =	sshrl.u32 s31, $0x1;
	s8 =	sshrl.u32 s8, $0x2;
	s11 =	sor.u32 s1, s6  }
0xb: {  	s5 =	sadd.s32 s5, s4;
	s4 =	sadd.s32 $0x3C00, s12;
	s14 =	ssub.s32 s31, s9  }
0xc: {  	s6 =	sadd.s32 s8, s2;
	s11 =	smul.u32 $0x50, s11;
	s7 =	sshrl.u32 s5, $0x3  }
0xd: {  	s5 =	sadd.s32 $0x67C00, s12;
	s8 =	sadd.s32 $0x8000, s6;
	s9 =	sadd.s32 $0xC000, s6  }
0xe: {  	s10 =	sadd.s32 $0x10000, s6;
	s14 =	smax.u32 s14, $0x1;
	s13 =	sadd.s32 s7, s12  }
0xf: {  	v0 =	vimm.f32 $0.0e+00;
	s7 =	sadd.s32 $0x4000, s6;
	s12 =	sadd.s32 $0xDC00, s12;
	s13 =	sadd.s32 $0x8EE00, s13  }
.LBB2_1:
0x10: {  	s29 =	simm.s32 $0x0;
	s30 =	simm.s32 $0x200  }
.LBB2_2:
0x11: {  	p0 =	sne.s32 s30, $0xFE00;
	[tilespmem:s29+$0x2870] =	vst v0  }
0x12: {  	[tilespmem:s29+$0x2800] =	vst v0  }
0x13: {  	[tilespmem:s29+$0x2810] =	vst v0  }
.Ltmp0:
0x14: {  	[tilespmem:s29+$0x2820] =	vst v0;
	(pc) =	sbr.rel @p0 .LBB2_2-.Ltmp0, $4  }
0x15: {  	[tilespmem:s29+$0x2830] =	vst v0  }
0x16: {  	[tilespmem:s29+$0x2840] =	vst v0  }
0x17: {  	[tilespmem:s29+$0x2850] =	vst v0  }
0x18: {  	[tilespmem:s29+$0x2860] =	vst v0;
	s29 =	sshra.s32 s30, $0x2;
	s30 =	sadd.s32 $0x200, s30  }
0x19: {  	[tilespmem:s29+$0x2870] =	vst v0  }
0x1a: {  	[tilespmem:s29+$0x2800] =	vst v0  }
0x1b: {  	[tilespmem:s29+$0x2810] =	vst v0  }
0x1c: {  	[tilespmem:s29+$0x2820] =	vst v0  }
0x1d: {  	[tilespmem:s29+$0x2830] =	vst v0  }
0x1e: {  	[tilespmem:s29+$0x2840] =	vst v0  }
0x1f: {  	[tilespmem:s29+$0x2850] =	vst v0  }
0x20: {  	[tilespmem:s29+$0x2860] =	vst v0  }
0x21: {  	[spmem:s6] =	stream.linear.scatter [tilespmem:s15], [sflag:$0x3], $0x4000, $0x38;
	[tilespmem:$0x1E800] =	vst v63  }
0x22: {  	_ =	swait.ge [sflag:s16], $0x4000  }
0x23: {  	[sflag:s16] =	ssyncset.done $0x0  }
0x24: {  	[sflag:s16] =	ssyncadd.s32 $0xFFFFC000  }
0x25: {  	[spmem:s7] =	stream.linear.scatter [tilespmem:s15], [sflag:$0x3], $0x4000, $0x38;
	[tilespmem:$0x1E800] =	vst v63  }
0x26: {  	_ =	swait.ge [sflag:s16], $0x4000  }
0x27: {  	[sflag:s16] =	ssyncset.done $0x0  }
0x28: {  	[sflag:s16] =	ssyncadd.s32 $0xFFFFC000  }
0x29: {  	[spmem:s8] =	stream.linear.scatter [tilespmem:s15], [sflag:$0x3], $0x4000, $0x38;
	[tilespmem:$0x1E800] =	vst v63  }
0x2a: {  	_ =	swait.ge [sflag:s16], $0x4000  }
0x2b: {  	[sflag:s16] =	ssyncset.done $0x0  }
0x2c: {  	[sflag:s16] =	ssyncadd.s32 $0xFFFFC000  }
0x2d: {  	[spmem:s9] =	stream.linear.scatter [tilespmem:s15], [sflag:$0x3], $0x4000, $0x38;
	[tilespmem:$0x1E800] =	vst v63  }
0x2e: {  	_ =	swait.ge [sflag:s16], $0x4000  }
0x2f: {  	[sflag:s16] =	ssyncset.done $0x0  }
0x30: {  	[sflag:s16] =	ssyncadd.s32 $0xFFFFC000  }
0x31: {  	[spmem:s10] =	stream.linear.scatter [tilespmem:s15], [sflag:$0x3], $0x4000, $0x38;
	[tilespmem:$0x1E800] =	vst v63  }
0x32: {  	_ =	swait.ge [sflag:s16], $0x4000  }
0x33: {  	[sflag:s16] =	ssyncset.done $0x0  }
0x34: {  	s29 =	simm.s32 $0x0;
	[sflag:s16] =	ssyncadd.s32 $0xFFFFC000  }
0x35: {  	p1 =	por $0x1, $0x1;
	s30 =	simm.s32 $0x0;
	[bflag:$0x0] =	sbarrier.arrive $0xFFFF  }
.LBB2_4:
0x36: {  	s30 =	sadd.s32 s11, s30  }
0x37: {  	s30 =	sshll.u32 s30, $0x4  }
0x38: {  	s31 =	sadd.s32 s4, s30  }
0x39: {  	[tilespmem:s29], [sflag:$0x3] =	stream.linear.gather [hbm4b:s31+s29], $0x1400, $0x38;
	[tilespmem:$0x1E800] =	vst v63  }
0x3a: {  	_ =	swait.ge [sflag:s16], $0x1400  }
0x3b: {  	[sflag:s16] =	ssyncset.done $0x0  }
0x3c: {  	s30 =	sadd.s32 s30, s12;
	[sflag:s16] =	ssyncadd.s32 $0xFFFFEC00  }
0x3d: {  	[tilespmem:s17], [sflag:$0x3] =	stream.linear.gather [hbm4b:s30+s29], $0x1400, $0x38;
	[tilespmem:$0x1E800] =	vst v63  }
0x3e: {  	_ =	swait.ge [sflag:s16], $0x1400  }
0x3f: {  	[sflag:s16] =	ssyncset.done $0x0  }
0x40: {  	[sflag:s16] =	ssyncadd.s32 $0xFFFFEC00  }
0x41: {  	[tilespmem:s15], [sflag:$0x1] =	stream.indirect.gather [hbm4b:s5+s18], $0x80, s29, s18, $0xb8;
	[tilespmem:$0x1E800] =	vst v63  }
0x42: {  	_ = 	snop  }
0x43: {  	[tilespmem:s19], [sflag:$0x2] =	stream.indirect.gather [hbm4b:s5+s18], $0x80, s18, s18, $0xb8;
	[tilespmem:$0x1E800] =	vst v63  }
0x44: {  	_ =	swait.ge [sflag:s20], $0x4000  }
0x45: {  	[sflag:s20] =	ssyncset.done $0x0  }
0x46: {  	s30 =	simm.s32 $0x1400;
	[sflag:s20] =	ssyncadd.s32 $0xFFFFC000  }
0x47: {  	[spmem:s2] =	stream.indirect.scatter.add.f32 [tilespmem:s15], [sflag:$0x3], $0x80, s30, s18, $0xb8;
	[tilespmem:$0x1E800] =	vst v63  }
0x48: {  	_ =	swait.ge [sflag:s16], $0x4000  }
0x49: {  	[sflag:s16] =	ssyncset.done $0x0  }
0x4a: {  	s30 =	simm.s32 $0x100;
	[sflag:s16] =	ssyncadd.s32 $0xFFFFC000  }
0x4b: {  	[tilespmem:s15], [sflag:$0x1] =	stream.indirect.gather [hbm4b:s5+s18], $0x80, s30, s18, $0xb8;
	[tilespmem:$0x1E800] =	vst v63  }
0x4c: {  	_ =	swait.ge [sflag:s21], $0x4000  }
0x4d: {  	[sflag:s21] =	ssyncset.done $0x0  }
0x4e: {  	s30 =	simm.s32 $0x1480;
	[sflag:s21] =	ssyncadd.s32 $0xFFFFC000  }
0x4f: {  	[spmem:s2] =	stream.indirect.scatter.add.f32 [tilespmem:s19], [sflag:$0x3], $0x80, s30, s18, $0xb8;
	[tilespmem:$0x1E800] =	vst v63  }
0x50: {  	_ =	swait.ge [sflag:s16], $0x4000  }
0x51: {  	p0 =	por p1, p1;
	[sflag:s16] =	ssyncset.done $0x0  }
0x52: {  	s31 =	simm.s32 $0x180;
	s30 =	simm.s32 $0x400;
	[sflag:s16] =	ssyncadd.s32 $0xFFFFC000  }
.LBB2_5:
0x53: {  	[tilespmem:s19], [sflag:$0x2] =	stream.indirect.gather [hbm4b:s5+s18], $0x80, s31, s18, $0xb8;
	[tilespmem:$0x1E800] =	vst v63  }
0x54: {  	s31 =	smov.u32 s30  }
0x55: {  	p1 =	sne.s32 s30, $0x4400;
	s30 =	sadd.s32 $0x400, s30;
	_ =	swait.ge [sflag:s20], $0x4000  }
0x56: {  	s31 =	sshra.s32 s31, $0x2;
	[sflag:s20] =	ssyncset.done $0x0  }
0x57: {  	s0 =	sadd.s32 $0x1400, s31;
	[sflag:s20] =	ssyncadd.s32 $0xFFFFC000  }
0x58: {  	[spmem:s2] =	stream.indirect.scatter.add.f32 [tilespmem:s15], [sflag:$0x3], $0x80, s0, s18, $0xb8;
	[tilespmem:$0x1E800] =	vst v63  }
0x59: {  	_ =	swait.ge [sflag:s16], $0x4000  }
0x5a: {  	[sflag:s16] =	ssyncset.done $0x0  }
0x5b: {  	s0 =	sadd.s32 $0x100, s31;
	[sflag:s16] =	ssyncadd.s32 $0xFFFFC000  }
0x5c: {  	[tilespmem:s15], [sflag:$0x1] =	stream.indirect.gather [hbm4b:s5+s18], $0x80, s0, s18, $0xb8;
	[tilespmem:$0x1E800] =	vst v63  }
0x5d: {  	_ =	swait.ge [sflag:s21], $0x4000  }
0x5e: {  	[sflag:s21] =	ssyncset.done $0x0  }
.Ltmp1:
0x5f: {  	s0 =	sadd.s32 $0x1480, s31;
	[sflag:s21] =	ssyncadd.s32 $0xFFFFC000;
	(pc) =	sbr.rel @p1 .LBB2_5-.Ltmp1, $4  }
0x60: {  	[spmem:s2] =	stream.indirect.scatter.add.f32 [tilespmem:s19], [sflag:$0x3], $0x80, s0, s18, $0xb8;
	[tilespmem:$0x1E800] =	vst v63  }
0x61: {  	_ =	swait.ge [sflag:s16], $0x4000  }
0x62: {  	[sflag:s16] =	ssyncset.done $0x0  }
0x63: {  	s31 =	sadd.s32 $0x180, s31;
	[sflag:s16] =	ssyncadd.s32 $0xFFFFC000  }
0x64: {  	[tilespmem:s19], [sflag:$0x2] =	stream.indirect.gather [hbm4b:s5+s18], $0x80, s31, s18, $0xb8;
	[tilespmem:$0x1E800] =	vst v63  }
0x65: {  	_ =	swait.ge [sflag:s20], $0x4000  }
0x66: {  	[sflag:s20] =	ssyncset.done $0x0  }
0x67: {  	[sflag:s20] =	ssyncadd.s32 $0xFFFFC000  }
0x68: {  	[spmem:s2] =	stream.indirect.scatter.add.f32 [tilespmem:s15], [sflag:$0x3], $0x80, s22, s18, $0xb8;
	[tilespmem:$0x1E800] =	vst v63  }
0x69: {  	_ =	swait.ge [sflag:s16], $0x4000  }
0x6a: {  	[sflag:s16] =	ssyncset.done $0x0  }
0x6b: {  	[sflag:s16] =	ssyncadd.s32 $0xFFFFC000  }
0x6c: {  	[tilespmem:s15], [sflag:$0x1] =	stream.indirect.gather [hbm4b:s5+s18], $0x80, s23, s18, $0xb8;
	[tilespmem:$0x1E800] =	vst v63  }
0x6d: {  	_ =	swait.ge [sflag:s21], $0x4000  }
0x6e: {  	[sflag:s21] =	ssyncset.done $0x0  }
0x6f: {  	[sflag:s21] =	ssyncadd.s32 $0xFFFFC000  }
0x70: {  	[spmem:s2] =	stream.indirect.scatter.add.f32 [tilespmem:s19], [sflag:$0x3], $0x80, s24, s18, $0xb8;
	[tilespmem:$0x1E800] =	vst v63  }
0x71: {  	_ =	swait.ge [sflag:s16], $0x4000  }
0x72: {  	[sflag:s16] =	ssyncset.done $0x0  }
0x73: {  	[sflag:s16] =	ssyncadd.s32 $0xFFFFC000  }
0x74: {  	[tilespmem:s19], [sflag:$0x2] =	stream.indirect.gather [hbm4b:s5+s18], $0x80, s25, s18, $0xb8;
	[tilespmem:$0x1E800] =	vst v63  }
0x75: {  	_ =	swait.ge [sflag:s20], $0x4000  }
0x76: {  	[sflag:s20] =	ssyncset.done $0x0  }
0x77: {  	[sflag:s20] =	ssyncadd.s32 $0xFFFFC000  }
0x78: {  	[spmem:s2] =	stream.indirect.scatter.add.f32 [tilespmem:s15], [sflag:$0x3], $0x80, s26, s18, $0xb8;
	[tilespmem:$0x1E800] =	vst v63  }
0x79: {  	_ =	swait.ge [sflag:s16], $0x4000  }
0x7a: {  	[sflag:s16] =	ssyncset.done $0x0  }
0x7b: {  	[sflag:s16] =	ssyncadd.s32 $0xFFFFC000  }
0x7c: {  	[tilespmem:s15], [sflag:$0x1] =	stream.indirect.gather [hbm4b:s5+s18], $0x80, s25, s18, $0xb8;
	[tilespmem:$0x1E800] =	vst v63  }
0x7d: {  	_ =	swait.ge [sflag:s21], $0x4000  }
0x7e: {  	[sflag:s21] =	ssyncset.done $0x0  }
0x7f: {  	[sflag:s21] =	ssyncadd.s32 $0xFFFFC000  }
0x80: {  	[spmem:s2] =	stream.indirect.scatter.add.f32 [tilespmem:s19], [sflag:$0x3], $0x80, s28, s18, $0xb8;
	[tilespmem:$0x1E800] =	vst v63  }
0x81: {  	_ =	swait.ge [sflag:s16], $0x4000  }
0x82: {  	[sflag:s16] =	ssyncset.done $0x0  }
0x83: {  	[sflag:s16] =	ssyncadd.s32 $0xFFFFC000  }
0x84: {  	[tilespmem:s19], [sflag:$0x2] =	stream.indirect.gather [hbm4b:s5+s18], $0x80, s25, s18, $0xb8;
	[tilespmem:$0x1E800] =	vst v63  }
0x85: {  	_ =	swait.ge [sflag:s20], $0x4000  }
.Ltmp2:
0x86: {  	[sflag:s20] =	ssyncset.done $0x0;
	(pc) =	sbr.rel @p0 .LBB2_4-.Ltmp2, $4  }
0x87: {  	[sflag:s20] =	ssyncadd.s32 $0xFFFFC000  }
0x88: {  	_ =	swait.ge [sflag:s21], $0x4000  }
0x89: {  	[sflag:s21] =	ssyncset.done $0x0  }
0x8a: {  	s30 =	simm.s32 $0x28;
	p1 =	por $0x0, $0x0;
	[sflag:s21] =	ssyncadd.s32 $0xFFFFC000  }
0x8b: {  	s3 =	sadd.s32 $0x1, s3  }
0x8c: {  	s0 =	sshll.u32 s1, $0x6;
	[bflag:$0x0] =	sbarrier.arrive $0xFFFF;
	p0 =	sne.s32 s3, s14  }
.Ltmp3:
0x8d: {  	s29 =	sshrl.u32 s6, $0x3;
	s0 =	sor.u32 $0x1C03, s0;
	(pc) =	sbr.rel @p0 .LBB2_1-.Ltmp3, $4  }
0x8e: {  	[hbm:s13], [sflag:s0] =	dma.local [spmem:s29], $0x2800  }
0x8f: {  	_ =	swait.ge [sflag:s16], $0x2800  }
0x90: {  	[sflag:s16] =	ssyncset.done $0x0  }
0x91: {  	[sflag:s16] =	ssyncadd.s32 $0xFFFFD800  }
0x92: {  	_ =	sfence.sel $0x180000  }
0x93: {  	[bflag:$0x0] =	sbarrier.arrive $0xFFFF  }
0x94: {  	_ =	strace $0x9000004D  }
0x95: {  	[bflag:$0x2] =	sbarrier.arrive $0xFFFF  }
0x96: {  	p0 =	sne.s32 s1, $0x0;
	s0 =	rddreg [dreg:$0x2]  }
0x97: {  	s0 =	sadd.s32 @!p0 $0x100000, s0  }
0x98: {  	[sflag:s0] =	ssyncadd.tile.s32 @!p0 $0x1;
	_ =	shalt  }
.Lfunc_end2:
_tile_overlayer_lowered:
.L_overlay_start_2:
0x99: {  	(tag) =	ssettag $0x2  }
0x9a: {  	s0 =	rddreg [dreg:$0x0];
	s2 =	stileid.u32  }
0x9b: {  	s1 =	rddreg [dreg:$0x1];
	p0 =	sne.s32 s2, $0x0  }
0x9c: {  	s3 =	rddreg [dreg:$0x2];
	[bflag:$0x3] =	sbarrier.arrive $0xFFFF;
	s2 =	simm.s32 @!p0 $0x1C03  }
0x9d: {  	[timem:s3], [sflag:s2] =	dma.local @!p0 [hbm:s0], s1  }
0x9e: {  	s0 =	simm.s32 @!p0 $0x3  }
0x9f: {  	_ =	swait.ge @!p0 [sflag:s0], s1  }
0xa0: {  	s1 =	ssub.s32 @!p0 $0x0, s1;
	[sflag:s0] =	ssyncset.done @!p0 $0x0  }
0xa1: {  	[sflag:s0] =	ssyncadd.s32 @!p0 s1  }
0xa2: {  	[bflag:$0x3] =	sbarrier.arrive $0xFFFF  }
0xa3: {  	_ =	shalt  }

// kernel: kernel.8.cloned.1.call-start
scs
__scs_entry_jumppad:
0x0: {  	(pc) =	sbr.rel $0x88, $3  }
0x1: {  	(tag) =	ssettag $0x0;
	lr =	simm.s32 $0x1  }
0x2: {  	[smem:$0x3F93] =	sst lr;
	_ =	strace $0xD0000000  }
0x3: {  	_ = 	snop  }
0x4: {  	_ = 	snop  }
0x5: {  	_ = 	snop  }
0x6: {  	_ = 	snop  }
0x7: {  	_ = 	snop  }
__scs_overlays_trampoline_lowered:
0x8: {  	[smem:$0x3FA2] =	sst s0  }
0x9: {  	[smem:$0x3FA3] =	sst s1  }
0xa: {  	[smem:$0x3FA4] =	sst s2  }
0xb: {  	[smem:$0x3FA5] =	sst s3  }
0xc: {  	[smem:$0x3FA6] =	sst s4  }
0xd: {  	[smem:$0x3FA7] =	sst s5  }
0xe: {  	[smem:$0x3FA8] =	sst s6  }
0xf: {  	[smem:$0x3FA9] =	sst s7  }
0x10: {  	[smem:$0x3FAA] =	sst s8  }
0x11: {  	[smem:$0x3FAB] =	sst s9;
	s0 =	simm.s32 @!p0 $0x0  }
0x12: {  	s1 =	sld [smem:$0x3F91];
	s0 =	simm.s32 @p0 $0x1  }
0x13: {  	[smem:$0x3FAC] =	sst s0;
	s0 =	simm.s32 @!p1 $0x0  }
0x14: {  	s2 =	sld [smem:$0x3F90];
	s0 =	simm.s32 @p1 $0x1  }
0x15: {  	[smem:$0x3FAD] =	sst s0;
	s0 =	simm.s32 @!p2 $0x0  }
0x16: {  	s3 =	sld [smem:$0x3FDB];
	s0 =	simm.s32 @p2 $0x1  }
0x17: {  	s4 =	simm.s32 $0x1BF5;
	[smem:$0x3FAF] =	sst s0  }
0x18: {  	s0 =	sld [smem:$0x3F92];
	_ =	swait.ge [sflag:s4], $0x0  }
0x19: {  	s7 =	sld [smem:$0x3F93]  }
0x1a: {  	s8 =	sadd.s32 $0xFFFFE003, lr  }
0x1b: {  	s9 =	sadd.s32 $0xFFFFFEF7, lr;
	s5 =	simm.s32 $0xFFFFFFFF;
	p2 =	slt.u32 s8, $0xFFFFF086  }
0x1c: {  	p1 =	slt.u32 s9, $0xF7A;
	s5 =	simm.s32 @!p2 $0x0  }
0x1d: {  	s5 =	simm.s32 @p1 $0x1;
	p0 =	seq.s32 s7, s2  }
0x1e: {  	s7 =	smul.u32 @!p0 $0xF7A, s2;
	p2 =	seq.s32 @!p0 s5, $0x0  }
0x1f: {  	s9 =	smul.u32 $0xF7A, s1;
	s8 =	simm.s32 @!p0 $0x1BF5;
	p2 =	por !p2, p0  }
0x20: {  	[sflag:s8] =	ssyncset.s32 @!p0 $0xFFFFF086;
	s6 =	sadd.s32 @!p0 s3, s7;
	s7 =	simm.s32 @!p0 $0x108  }
0x21: {  	s3 =	sadd.s32 s3, s9;
	s6 =	sadd.s32 @!p0 $0x88, s6;
	s7 =	simm.s32 @p2 $0x1082  }
0x22: {  	[simem:s7], [sflag:s8] =	dma.local @!p0 [hbm:s6], $0xF7A  }
0x23: {  	s9 =	sor.u32 $0xD0000000, s2;
	s6 =	simm.s32 $0x108;
	_ =	swait.ge @!p0 [sflag:s8], $0x0  }
0x24: {  	s3 =	sadd.s32 $0x88, s3;
	s6 =	simm.s32 @!p1 $0x1082;
	[sflag:s4] =	ssyncset.s32 $0xFFFFF086  }
0x25: {  	[simem:s6], [sflag:s4] =	dma.local [hbm:s3], $0xF7A  }
0x26: {  	[smem:$0x3F93] =	sst s1;
	(tag) =	ssettag s2;
	_ =	strace s9  }
0x27: {  	s1 =	sld [smem:$0x3FA3]  }
0x28: {  	s2 =	sld [smem:$0x3FA4]  }
0x29: {  	s4 =	sld [smem:$0x3FA6]  }
0x2a: {  	p0 =	seq.s32 s5, $0x0;
	s5 =	sld [smem:$0x3FA7]  }
0x2b: {  	s6 =	sld [smem:$0x3FA8]  }
0x2c: {  	s7 =	sld [smem:$0x3FA9]  }
0x2d: {  	s3 =	simm.s32 $0x108;
	s8 =	sld [smem:$0x3FAA]  }
0x2e: {  	s3 =	simm.s32 @!p0 $0x1082;
	s9 =	sld [smem:$0x3FAB]  }
0x2f: {  	lr =	sadd.s32 s0, s3;
	s0 =	sld [smem:$0x3FA2]  }
0x30: {  	s3 =	sld [smem:$0x3FA5]  }
0x31: {  	[smem:$0x3FAE] =	sst s10  }
0x32: {  	s10 =	sld [smem:$0x3FAC];
	_ =	sdelay $0x3  }
0x33: {  	p0 =	seq.s32 s10, $0x1;
	s10 =	sld [smem:$0x3FAE];
	_ =	sdelay $0x3  }
0x34: {  	[smem:$0x3FAE] =	sst s10  }
0x35: {  	s10 =	sld [smem:$0x3FAD];
	_ =	sdelay $0x3  }
0x36: {  	p1 =	seq.s32 s10, $0x1;
	s10 =	sld [smem:$0x3FAE];
	_ =	sdelay $0x3  }
0x37: {  	[smem:$0x3FAE] =	sst s10  }
0x38: {  	s10 =	sld [smem:$0x3FAF]  }
0x39: {  	_ = 	snop;
	(pc) =	sbr.ind lr, $3  }
0x3a: {  	_ = 	snop  }
0x3b: {  	_ = 	snop  }
0x3c: {  	p2 =	seq.s32 s10, $0x1;
	s10 =	sld [smem:$0x3FAE]  }
0x3d: {  	_ =	shalt  }
0x3e: {  	_ =	shalt  }
0x3f: {  	_ =	shalt  }
0x40: {  	_ =	shalt  }
0x41: {  	_ =	shalt  }
0x42: {  	_ =	shalt  }
0x43: {  	_ =	shalt  }
0x44: {  	_ =	shalt  }
0x45: {  	_ =	shalt  }
0x46: {  	_ =	shalt  }
0x47: {  	_ =	shalt  }
0x48: {  	_ =	shalt  }
0x49: {  	_ =	shalt  }
0x4a: {  	_ =	shalt  }
0x4b: {  	_ =	shalt  }
0x4c: {  	_ =	shalt  }
0x4d: {  	_ =	shalt  }
0x4e: {  	_ =	shalt  }
0x4f: {  	_ =	shalt  }
0x50: {  	_ =	shalt  }
0x51: {  	_ =	shalt  }
0x52: {  	_ =	shalt  }
0x53: {  	_ =	shalt  }
0x54: {  	_ =	shalt  }
0x55: {  	_ =	shalt  }
0x56: {  	_ =	shalt  }
0x57: {  	_ =	shalt  }
0x58: {  	_ =	shalt  }
0x59: {  	_ =	shalt  }
0x5a: {  	_ =	shalt  }
0x5b: {  	_ =	shalt  }
0x5c: {  	_ =	shalt  }
0x5d: {  	_ =	shalt  }
0x5e: {  	_ =	shalt  }
0x5f: {  	_ =	shalt  }
0x60: {  	_ =	shalt  }
0x61: {  	_ =	shalt  }
0x62: {  	_ =	shalt  }
0x63: {  	_ =	shalt  }
0x64: {  	_ =	shalt  }
0x65: {  	_ =	shalt  }
0x66: {  	_ =	shalt  }
0x67: {  	_ =	shalt  }
0x68: {  	_ =	shalt  }
0x69: {  	_ =	shalt  }
0x6a: {  	_ =	shalt  }
0x6b: {  	_ =	shalt  }
0x6c: {  	_ =	shalt  }
0x6d: {  	_ =	shalt  }
0x6e: {  	_ =	shalt  }
0x6f: {  	_ =	shalt  }
0x70: {  	_ =	shalt  }
0x71: {  	_ =	shalt  }
0x72: {  	_ =	shalt  }
0x73: {  	_ =	shalt  }
0x74: {  	_ =	shalt  }
0x75: {  	_ =	shalt  }
0x76: {  	_ =	shalt  }
0x77: {  	_ =	shalt  }
0x78: {  	_ =	shalt  }
0x79: {  	_ =	shalt  }
0x7a: {  	_ =	shalt  }
0x7b: {  	_ =	shalt  }
0x7c: {  	_ =	shalt  }
0x7d: {  	_ =	shalt  }
0x7e: {  	_ =	shalt  }
0x7f: {  	_ =	shalt  }
0x80: {  	_ =	shalt  }
0x81: {  	_ =	shalt  }
0x82: {  	_ =	shalt  }
0x83: {  	_ =	shalt  }
0x84: {  	_ =	shalt  }
0x85: {  	_ =	shalt  }
0x86: {  	_ =	shalt  }
0x87: {  	_ =	shalt  }
.Lfunc_end0:
.L_simem_size_0:
called_computation_lowered:
.L_overlay_start_0:
0x88: {  	s2 =	sld [smem:$0x3FD9]  }
0x89: {  	s3 =	sld [smem:$0x3FFE];
	_ =	sdelay $0x1  }
0x8a: {  	s1 =	srdreg.scid  }
0x8b: {  	s0 =	sand.u32 $0x1, s1  }
0x8c: {  	s17 =	sshll.u32 s0, $0xA;
	s2 =	sadd.s32 s3, s2  }
0x8d: {  	s2 =	sadd.s32 s2, s17  }
0x8e: {  	[smem:$0x3FBA] =	sst s2  }
0x8f: {  	_ = 	snop  }
0x90: {  	s2 =	sld [smem:$0x3FD0];
	(tm) =	ssettm $0x1  }
0x91: {  	s18 =	sld [smem:$0x3FFB];
	_ =	sdelay $0x3  }
0x92: {  	_ =	strace s18  }
0x93: {  	s3 =	sld [smem:$0x3FFC];
	_ =	sdelay $0x3  }
0x94: {  	_ =	strace s3  }
0x95: {  	s3 =	sld [smem:$0x3FFD];
	_ =	sdelay $0x3  }
0x96: {  	_ =	strace s3  }
0x97: {  	_ =	strace $0x8FFFFFFF  }
0x98: {  	s19 =	sld [smem:$0x3FDB];
	_ =	sdelay $0x1  }
0x99: {  	s4 =	simm.s32 $_scs_section_size  }
0x9a: {  	s5 =	simm.s32 $_size__tile_overlayer_lowered;
	s6 =	simm.s32 $_tile_overlayer_lowered  }
0x9b: {  	s22 =	simm.s32 $0x1BFF;
	s21 =	sshll.u32 s6, $0x1;
	s3 =	sadd.s32 s4, s19  }
0x9c: {  	s7 =	simm.s32 $0x0;
	s20 =	sshll.u32 s5, $0x1;
	s5 =	sadd.s32 s21, s3  }
0x9d: {  	[timem:s7], [sflag:s22] =	dma.local [hbm:s5], s20  }
0x9e: {  	_ =	swait.ge [sflag:s22], s20  }
0x9f: {  	s4 =	ssub.s32 $0x0, s20;
	[sflag:s22] =	ssyncset.done $0x0  }
0xa0: {  	[sflag:s22] =	ssyncadd.s32 s4;
	_ =	sdelay $0x1  }
0xa1: {  	s23 =	simm.s32 $0x1B8B  }
0xa2: {  	_ =	swait.ge [sflag:s23], $0x1  }
0xa3: {  	[sflag:s23] =	ssyncset.done $0x0  }
0xa4: {  	s25 =	simm.s32 $0x1B8E;
	s24 =	sld [smem:$0x3FFE];
	[sflag:s23] =	ssyncadd.s32 $0xFFFFFFFF  }
0xa5: {  	s26 =	simm.s32 $execute0_lowered;
	[smem:$0x3FD2] =	sst s25  }
0xa6: {  	s5 =	sshll.u32 s26, $0x1;
	_ =	strace $0x80000046;
	[dreg:$0x1] =	wrdreg $0xFFFFFFFF  }
0xa7: {  	s28 =	simm.s32 $_size_execute0_lowered;
	s3 =	sadd.s32 s3, s5;
	[dreg:$0x0] =	wrdreg $0x0  }
0xa8: {  	s5 =	sshll.u32 s28, $0x1;
	[dreg:$0x2] =	wrdreg s3  }
0xa9: {  	[dreg:$0x3] =	wrdreg s5  }
0xaa: {  	[dreg:$0x4] =	wrdreg $0xC0  }
0xab: {  	_ =	task [dreg:s7], $0x5FFFF  }
0xac: {  	[dreg:$0x1] =	wrdreg $0xFFFFFFFF  }
0xad: {  	[dreg:$0x0] =	wrdreg $0x60  }
0xae: {  	[dreg:$0x2] =	wrdreg s24  }
0xaf: {  	[dreg:$0x3] =	wrdreg s2  }
0xb0: {  	[dreg:$0x4] =	wrdreg $0x2B000  }
0xb1: {  	[dreg:$0x5] =	wrdreg $0x9  }
0xb2: {  	_ =	task.clear_ibuf [dreg:s7], $0x6FFFF;
	_ =	strace $0x90000046  }
0xb3: {  	s29 =	simm.s32 $0x9;
	_ =	strace $0x80000048  }
0xb4: {  	_ =	swait.ge [sflag:s29], $0x1  }
0xb5: {  	[sflag:s29] =	ssyncadd.s32 $0xFFFFFFFF  }
0xb6: {  	_ =	strace $0x90000048  }
0xb7: {  	_ =	sfence  }
0xb8: {  	s30 =	sld [smem:$0x0];
	_ =	sdelay $0x2  }
0xb9: {  	s31 =	sshll.u32 s1, $0xD;
	s1 =	sshrl.u32 s1, $0x2  }
0xba: {  	s3 =	sand.u32 $0x4000, s31;
	s1 =	sadd.s32 s1, s30  }
0xbb: {  	s0 =	sor.u32 s3, s0;
	s1 =	sshll.u32 s1, $0x11  }
0xbc: {  	s0 =	sor.u32 s1, s0  }
0xbd: {  	s0 =	sadd.s32 $0x8F2B, s0  }
0xbe: {  	[sflag:s0] =	ssyncadd.remote.s32 $0x1  }
0xbf: {  	_ =	sfence.sel $0xFFFF  }
0xc0: {  	[dreg:$0x0] =	wrdreg $0xFFFFFFFF;
	(pc) =	sbr.abs _section_cstart, $3  }
0xc1: {  	[dreg:$0x1] =	wrdreg $0xFFFFFFFF  }
0xc2: {  	_ =	task.clear_ibuf [dreg:s7], $0x2FFFF;
	_ =	strace $0x9FFFFFFF  }
0xc3: {  	(tm) =	ssettm $0x7FFFFFFF  }
tec
execute0_lowered:
.L_overlay_start_1:
0x0: {  	(tag) =	ssettag $0x1  }
0x1: {  	s4 =	rddreg [dreg:$0x0]  }
0x2: {  	s0 =	srdreg.scid;
	s6 =	rddreg [dreg:$0x1]  }
0x3: {  	s2 =	rddreg [dreg:$0x2];
	s1 =	stileid.u32;
	s3 =	simm.s32 $0x0  }
0x4: {  	s12 =	simm.s32 $0x1;
	s15 =	simm.s32 $0x20;
	s16 =	simm.s32 $0x10  }
0x5: {  	s5 =	sand.u32 $0x1, s0;
	s0 =	rddreg [dreg:$0x3];
	s9 =	smul.u32 $0x500, s1  }
0x6: {  	s17 =	simm.s32 $0x0;
	[smem:$0x7FF] =	sst s3;
	s11 =	smul.u32 $0xA00, s1  }
0x7: {  	s13 =	sshll.u32 s1, $0x6;
	s7 =	sshll.u32 s5, $0x4;
	_ =	strace $0x80000047  }
0x8: {  	s8 =	ssub.s32 $0x2, s5;
	s5 =	sshll.u32 s5, $0x7;
	s7 =	sor.u32 s1, s7  }
0x9: {  	s13 =	sor.u32 $0x1C02, s13;
	s10 =	sshrl.u32 s8, $0x1;
	s7 =	smul.u32 $0x2800, s7  }
0xa: {  	s5 =	sor.u32 s5, s9;
	s30 =	sshrl.u32 s11, $0x2;
	s9 =	simm.s32 $0x2  }
0xb: {  	s11 =	simm.s32 $0x2800;
	s8 =	ssub.s32 s8, s10;
	s7 =	sshrl.u32 s7, $0x3  }
0xc: {  	s31 =	sshrl.u32 s5, $0x3;
	s10 =	simm.s32 $0x80;
	s7 =	sadd.s32 s4, s7  }
0xd: {  	s6 =	sadd.s32 s6, s31;
	s4 =	sadd.s32 s30, s2;
	s5 =	sadd.s32 $0xDC00, s7  }
0xe: {  	v0 =	vimm.f32 $1.000000000e+00;
	v1 =	vimm.f32 $0.0e+00;
	s7 =	smax.u32 s8, $0x1;
	s8 =	simm.s32 $0x2880;
	s14 =	sshrl.u32 s4, $0x3  }
.LBB2_1:
0xf: {  	[tilespmem:$0x2800] =	vst v0  }
0x10: {  	[tilespmem:$0x2810] =	vst v0  }
0x11: {  	[tilespmem:$0x2820] =	vst v0  }
0x12: {  	[tilespmem:$0x2830] =	vst v0  }
0x13: {  	[tilespmem:$0x2840] =	vst v0  }
0x14: {  	[tilespmem:$0x2850] =	vst v0  }
0x15: {  	[tilespmem:$0x2860] =	vst v0  }
0x16: {  	[tilespmem:$0x2870] =	vst v0  }
0x17: {  	[tilespmem:$0x2880] =	vst v1  }
0x18: {  	[tilespmem:$0x2890] =	vst v1  }
0x19: {  	[tilespmem:$0x28A0] =	vst v1  }
0x1a: {  	[tilespmem:$0x28B0] =	vst v1  }
0x1b: {  	[tilespmem:$0x28C0] =	vst v1  }
0x1c: {  	[tilespmem:$0x28D0] =	vst v1  }
0x1d: {  	[tilespmem:$0x28E0] =	vst v1  }
0x1e: {  	[tilespmem:$0x28F0] =	vst v1  }
0x1f: {  	[tilespmem:$0x2900] =	vst v1  }
0x20: {  	[tilespmem:$0x2910] =	vst v1  }
0x21: {  	[tilespmem:$0x2920] =	vst v1  }
0x22: {  	[tilespmem:$0x2930] =	vst v1  }
0x23: {  	[tilespmem:$0x2940] =	vst v1  }
0x24: {  	[tilespmem:$0x2950] =	vst v1  }
0x25: {  	[tilespmem:$0x2960] =	vst v1  }
0x26: {  	[tilespmem:$0x2970] =	vst v1  }
0x27: {  	[tilespmem:$0x2980] =	vst v1  }
0x28: {  	[tilespmem:$0x2990] =	vst v1  }
0x29: {  	[tilespmem:$0x29A0] =	vst v1  }
0x2a: {  	[tilespmem:$0x29B0] =	vst v1  }
0x2b: {  	[tilespmem:$0x29C0] =	vst v1  }
0x2c: {  	[tilespmem:$0x29D0] =	vst v1  }
0x2d: {  	[tilespmem:$0x29E0] =	vst v1  }
0x2e: {  	[tilespmem:$0x29F0] =	vst v1  }
0x2f: {  	[tilespmem:$0x2A00] =	vst v1  }
0x30: {  	[tilespmem:$0x2A10] =	vst v1  }
0x31: {  	[tilespmem:$0x2A20] =	vst v1  }
0x32: {  	[tilespmem:$0x2A30] =	vst v1  }
0x33: {  	[tilespmem:$0x2A40] =	vst v1  }
0x34: {  	[tilespmem:$0x2A50] =	vst v1  }
0x35: {  	[tilespmem:$0x2A60] =	vst v1  }
0x36: {  	[tilespmem:$0x2A70] =	vst v1  }
0x37: {  	[tilespmem:$0x2A80] =	vst v1  }
0x38: {  	[tilespmem:$0x2A90] =	vst v1  }
0x39: {  	[tilespmem:$0x2AA0] =	vst v1  }
0x3a: {  	[tilespmem:$0x2AB0] =	vst v1  }
0x3b: {  	[tilespmem:$0x2AC0] =	vst v1  }
0x3c: {  	[tilespmem:$0x2AD0] =	vst v1  }
0x3d: {  	[tilespmem:$0x2AE0] =	vst v1  }
0x3e: {  	[tilespmem:$0x2AF0] =	vst v1  }
0x3f: {  	[spmem:s4] =	stream.linear.scatter [tilespmem:s8], [sflag:$0x2], $0x280, $0x38;
	[tilespmem:$0x2D80] =	vst v63  }
0x40: {  	_ =	swait.ge [sflag:s9], $0x280  }
0x41: {  	[sflag:s9] =	ssyncset.done $0x0  }
0x42: {  	[sflag:s9] =	ssyncadd.s32 $0xFFFFFD80  }
0x43: {  	[tilespmem:s3], [sflag:$0x2] =	stream.linear.gather [hbm4b:s5+s3], $0x2800, $0x38;
	[tilespmem:$0x2D80] =	vst v63  }
0x44: {  	_ =	swait.ge [sflag:s9], $0x2800  }
0x45: {  	[sflag:s9] =	ssyncset.done $0x0  }
0x46: {  	[sflag:s9] =	ssyncadd.s32 $0xFFFFD800  }
0x47: {  	s18 =	simm.s32 $0x0;
	[bflag:$0x0] =	sbarrier.arrive $0xFFFF  }
.LBB2_2:
0x48: {  	p0 =	sne.s32 s18, $0x9E00  }
.Ltmp0:
0x49: {  	_ = 	snop;
	(pc) =	sbr.rel @p0 .LBB2_2-.Ltmp0, $3  }
0x4a: {  	_ =	sdelay $0x1  }
0x4b: {  	s19 =	sshra.s32 s18, $0x2;
	s18 =	sadd.s32 $0x200, s18  }
0x4c: {  	[spmem:s2] =	stream.indirect.scatter.add.f32 [tilespmem:s11], [sflag:$0x1], $0x1, s19, s10, $0xb8;
	[tilespmem:$0x2D80] =	vst v63  }
0x4d: {  	_ =	swait.ge [sflag:s12], $0x80  }
0x4e: {  	s18 =	simm.s32 $0x4F;
	[sflag:s12] =	ssyncset.done $0x0  }
.LBB2_4:
0x4f: {  	p0 =	sne.s32 s18, $0x1;
	s18 =	sadd.s32 $0xFFFFFFFF, s18;
	[sflag:s12] =	ssyncadd.s32 $0xFFFFFF80  }
.Ltmp1:
0x50: {  	(pc) =	sbr.rel @p0 .LBB2_4-.Ltmp1, $3  }
0x51: {  	_ =	sdelay $0x1  }
0x52: {  	_ =	swait.ge [sflag:s12], $0x80  }
0x53: {  	[sflag:s12] =	ssyncset.done $0x0  }
0x54: {  	s17 =	sadd.s32 $0x1, s17  }
0x55: {  	[sflag:s12] =	ssyncadd.s32 $0xFFFFFF80;
	p0 =	sne.s32 s17, s7  }
.Ltmp2:
0x56: {  	[bflag:$0x0] =	sbarrier.arrive $0xFFFF;
	(pc) =	sbr.rel @p0 .LBB2_1-.Ltmp2, $4  }
0x57: {  	[hbm:s6@s15], [sflag:s13] =	dma.strided [spmem:s14@s16], $0x50, s12, $0x10   }
0x58: {  	_ =	swait.ge [sflag:s9], $0x50  }
0x59: {  	[sflag:s9] =	ssyncset.done $0x0  }
0x5a: {  	[sflag:s9] =	ssyncadd.s32 $0xFFFFFFB0  }
0x5b: {  	_ =	sfence.sel $0x180000  }
0x5c: {  	[bflag:$0x0] =	sbarrier.arrive $0xFFFF  }
0x5d: {  	p0 =	sne.s32 s1, $0x0;
	_ =	strace $0x90000047  }
0x5e: {  	s0 =	sadd.s32 @!p0 $0x100000, s0;
	[bflag:$0x2] =	sbarrier.arrive $0xFFFF  }
0x5f: {  	[sflag:s0] =	ssyncadd.tile.s32 @!p0 $0x1;
	_ =	shalt  }
.Lfunc_end2:
_tile_overlayer_lowered:
.L_overlay_start_2:
0x60: {  	(tag) =	ssettag $0x2  }
0x61: {  	s0 =	rddreg [dreg:$0x0];
	s2 =	stileid.u32  }
0x62: {  	s1 =	rddreg [dreg:$0x1];
	p0 =	sne.s32 s2, $0x0  }
0x63: {  	s3 =	rddreg [dreg:$0x2];
	[bflag:$0x3] =	sbarrier.arrive $0xFFFF;
	s2 =	simm.s32 @!p0 $0x1C02  }
0x64: {  	[timem:s3], [sflag:s2] =	dma.local @!p0 [hbm:s0], s1  }
0x65: {  	s0 =	simm.s32 @!p0 $0x2  }
0x66: {  	_ =	swait.ge @!p0 [sflag:s0], s1  }
0x67: {  	s1 =	ssub.s32 @!p0 $0x0, s1;
	[sflag:s0] =	ssyncset.done @!p0 $0x0  }
0x68: {  	[sflag:s0] =	ssyncadd.s32 @!p0 s1  }
0x69: {  	[bflag:$0x3] =	sbarrier.arrive $0xFFFF  }
0x6a: {  	_ =	shalt  }

</sc_bundles>
